<compile_context>
chip_gen: v7x
topology: tpu7x:2x2x1
jax: 0.10.2.dev20260603
libtpu: 0.0.44.dev20260713+nightly
codegen_flags: <defaults>
</compile_context>

<pallas_src>
import functools

import jax
import jax.numpy as jnp
from jax import lax
from jax.experimental import pallas as pl
from jax.experimental.pallas import tpu as pltpu
from jax.experimental.pallas import tpu_sc as plsc

N = 10000
E = 320000
H = 128
B = 64

_NC = 2
_NS = 16
_NT = _NC * _NS
_CH = 80
_ITERS = 125
_CPT = _ITERS
_EPT = _ITERS * _CH
_EPAD = _NT * _EPT
_NPAD = 10240
_DUMMY = N + 100
_RPT = _NPAD // _NS


def _segsum_sc(h, src, dst, zeros):
    mesh = plsc.VectorSubcoreMesh(core_axis_name="c", subcore_axis_name="s",
                                  num_cores=_NC, num_subcores=_NS)

    @functools.partial(
        pl.kernel,
        mesh=mesh,
        out_type=jax.ShapeDtypeStruct((_NC * _NPAD, H), jnp.float32),
        scratch_types=[
            pltpu.VMEM((_CH,), jnp.int32),
            pltpu.VMEM((_CH,), jnp.int32),
            pltpu.VMEM((_CH, H), jnp.float32),
            pltpu.VMEM_SHARED((_NPAD, H), jnp.float32),
            pltpu.SemaphoreType.DMA,
            pltpu.SemaphoreType.DMA,
        ],
    )
    def k(h_hbm, src_hbm, dst_hbm, z_hbm, out_hbm, sidx, didx, rows, acc,
          isem, gsem):
        c = lax.axis_index("c")
        s = lax.axis_index("s")
        w = c * _NS + s
        pltpu.sync_copy(z_hbm.at[pl.ds(s * _RPT, _RPT)],
                        acc.at[pl.ds(s * _RPT, _RPT)])
        base = w * _CPT * _CH
        plsc.subcore_barrier()

        def idx_pair(j):
            return (pltpu.make_async_copy(
                        src_hbm.at[pl.ds(base + j * _CH, _CH)], sidx, isem),
                    pltpu.make_async_copy(
                        dst_hbm.at[pl.ds(base + j * _CH, _CH)], didx, isem))

        def body(j, carry):
            for d in idx_pair(j):
                d.start()
            for d in idx_pair(j):
                d.wait()
            pltpu.async_copy(h_hbm.at[sidx], rows, gsem).wait()
            pltpu.sync_copy(rows, acc.at[didx], add=True)
            return carry

        lax.fori_loop(0, _ITERS, body, 0)
        plsc.subcore_barrier()
        pltpu.sync_copy(acc.at[pl.ds(s * _RPT, _RPT)],
                        out_hbm.at[pl.ds(c * _NPAD + s * _RPT, _RPT)])

    return k(h, src, dst, zeros)


_BLK = 1000


def _dense_pool(p, hprev, Wrel, brel_r, Wroot, batch_col):
    grid = (N // _BLK,)

    def body(p_ref, hp_ref, wr_ref, br_ref, wq_ref, b_ref,
             h_ref, mx_ref, sm_ref, cnt_ref):
        i = pl.program_id(0)
        agg = p_ref[0] + p_ref[1]
        hnew = lax.dot_general(agg, wr_ref[...], (((1,), (1,)), ((), ())),
                               preferred_element_type=jnp.float32)
        hnew = hnew + br_ref[...]
        hnew = hnew + lax.dot_general(hp_ref[...], wq_ref[...],
                                      (((1,), (1,)), ((), ())),
                                      preferred_element_type=jnp.float32)
        hnew = jnp.maximum(hnew, 0.0)
        h_ref[...] = hnew

        @pl.when(i == 0)
        def _init():
            mx_ref[...] = jnp.full((B, H), -jnp.inf, jnp.float32)
            sm_ref[...] = jnp.zeros((B, H), jnp.float32)
            cnt_ref[...] = jnp.zeros((B, H), jnp.float32)

        bb = b_ref[...]
        s_lo = b_ref[0, 0].astype(jnp.int32)
        s_hi = b_ref[_BLK - 1, 0].astype(jnp.int32)

        def seg(sgi, carry):
            m = bb == sgi.astype(jnp.float32)
            hmask = jnp.where(m, hnew, -jnp.inf)
            hzero = jnp.where(m, hnew, 0.0)
            mx_ref[pl.ds(sgi, 1), :] = jnp.maximum(
                mx_ref[pl.ds(sgi, 1), :], jnp.max(hmask, axis=0, keepdims=True))
            sm_ref[pl.ds(sgi, 1), :] = (
                sm_ref[pl.ds(sgi, 1), :] + jnp.sum(hzero, axis=0, keepdims=True))
            cnt_ref[pl.ds(sgi, 1), :] = (
                cnt_ref[pl.ds(sgi, 1), :] + jnp.sum(m.astype(jnp.float32)))
            return carry

        lax.fori_loop(s_lo, s_hi + 1, seg, 0)

    return pl.pallas_call(
        body,
        grid=grid,
        in_specs=[
            pl.BlockSpec((2, _BLK, H), lambda i: (0, i, 0)),
            pl.BlockSpec((_BLK, H), lambda i: (i, 0)),
            pl.BlockSpec((H, H), lambda i: (0, 0)),
            pl.BlockSpec((1, H), lambda i: (0, 0)),
            pl.BlockSpec((H, H), lambda i: (0, 0)),
            pl.BlockSpec((_BLK, 1), lambda i: (i, 0)),
        ],
        out_specs=[
            pl.BlockSpec((_BLK, H), lambda i: (i, 0)),
            pl.BlockSpec((B, H), lambda i: (0, 0)),
            pl.BlockSpec((B, H), lambda i: (0, 0)),
            pl.BlockSpec((B, H), lambda i: (0, 0)),
        ],
        out_shape=[
            jax.ShapeDtypeStruct((N, H), jnp.float32),
            jax.ShapeDtypeStruct((B, H), jnp.float32),
            jax.ShapeDtypeStruct((B, H), jnp.float32),
            jax.ShapeDtypeStruct((B, H), jnp.float32),
        ],
    )(p.reshape(_NC, _NPAD, H), hprev, Wrel, brel_r, Wroot, batch_col)


def _mlp(mx1, sm1, cnt1, mx2, sm2, cnt2, mx3, sm3, cnt3,
         W1, b1_r, W2, b2_r, W3, b3_r):
    def body(mx1_ref, sm1_ref, cnt1_ref, mx2_ref, sm2_ref, cnt2_ref,
             mx3_ref, sm3_ref, cnt3_ref, w1_ref, b1_ref, w2_ref, b2_ref,
             w3_ref, b3_ref, out_ref, enc_ref):
        def gpart(mx_ref, sm_ref, cnt_ref):
            cnt = jnp.maximum(cnt_ref[...], 1.0)
            return jnp.concatenate([mx_ref[...], sm_ref[...] / cnt], axis=1)

        g = (gpart(mx1_ref, sm1_ref, cnt1_ref)
             + gpart(mx2_ref, sm2_ref, cnt2_ref)
             + gpart(mx3_ref, sm3_ref, cnt3_ref))
        enc_ref[...] = g
        z = lax.dot_general(g, w1_ref[...], (((1,), (1,)), ((), ())),
                            preferred_element_type=jnp.float32) + b1_ref[...]
        z = jnp.maximum(z, 0.0)
        z = lax.dot_general(z, w2_ref[...], (((1,), (1,)), ((), ())),
                            preferred_element_type=jnp.float32) + b2_ref[...]
        z = jnp.maximum(z, 0.0)
        z = jnp.sum(z * w3_ref[...], axis=1, keepdims=True) + b3_ref[0, 0]
        out_ref[...] = z

    return pl.pallas_call(
        body,
        out_shape=[
            jax.ShapeDtypeStruct((B, 1), jnp.float32),
            jax.ShapeDtypeStruct((B, 2 * H), jnp.float32),
        ],
    )(mx1, sm1, cnt1, mx2, sm2, cnt2, mx3, sm3, cnt3,
      W1, b1_r, W2, b2_r, W3, b3_r)


def kernel(x, edge_index, batch, Wrel1, brel1, Wroot1, Wrel2, brel2, Wroot2,
           Wrel3, brel3, Wroot3, W_lin1, b_lin1, W_lin2, b_lin2, W_lin3, b_lin3):
    pad = _EPAD - E
    src = jnp.concatenate([edge_index[0], jnp.zeros((pad,), jnp.int32)])
    dst = jnp.concatenate([edge_index[1], jnp.full((pad,), _DUMMY, jnp.int32)])
    zeros = jnp.zeros((_NPAD, H), jnp.float32)
    batch_col = batch.astype(jnp.float32).reshape(N, 1)

    p1 = _segsum_sc(x, src, dst, zeros)
    h1, mx1, sm1, cnt1 = _dense_pool(p1, x, Wrel1, brel1.reshape(1, H),
                                     Wroot1, batch_col)
    p2 = _segsum_sc(h1, src, dst, zeros)
    h2, mx2, sm2, cnt2 = _dense_pool(p2, h1, Wrel2, brel2.reshape(1, H),
                                     Wroot2, batch_col)
    p3 = _segsum_sc(h2, src, dst, zeros)
    h3, mx3, sm3, cnt3 = _dense_pool(p3, h2, Wrel3, brel3.reshape(1, H),
                                     Wroot3, batch_col)

    out, enc = _mlp(mx1, sm1, cnt1, mx2, sm2, cnt2, mx3, sm3, cnt3,
                    W_lin1, b_lin1.reshape(1, -1),
                    W_lin2, b_lin2.reshape(1, -1),
                    W_lin3, b_lin3.reshape(1, -1))
    return (out, lax.stop_gradient(enc))

# --- scband reference (transcript-rebuilt; emitter-appended) ---
"""Pipeline reference for scband-encoder-esol-30605936951682 (READ-ONLY COPY).

The authoritative reference and input builder live on the scoring server;
editing this copy changes nothing except your own understanding.
"""

import jax, jax.numpy as jnp
import numpy as np

N = 10000
E = 320000
DIN = 128
H = 128
B = 64
DOUT = 1


def setup_inputs(seed: int = 0) -> dict:
    key = jax.random.key(seed)
    ks = jax.random.split(key, 20)
    x = jax.random.normal(ks[0], (N, DIN), dtype=jnp.float32)
    edge_index = jax.random.randint(ks[1], (2, E), 0, N, dtype=jnp.int32)
    batch = jnp.sort(jax.random.randint(ks[2], (N,), 0, B, dtype=jnp.int32))
    s_in = 1.0 / np.sqrt(DIN)
    s_h = 1.0 / np.sqrt(H)
    s_2h = 1.0 / np.sqrt(2 * H)
    s_128 = 1.0 / np.sqrt(128)
    s_64 = 1.0 / np.sqrt(64)
    inp = {
        "x": x,
        "edge_index": edge_index,
        "batch": batch,
        "Wrel1": jax.random.normal(ks[3], (H, DIN), jnp.float32) * s_in,
        "brel1": jnp.zeros((H,), jnp.float32),
        "Wroot1": jax.random.normal(ks[4], (H, DIN), jnp.float32) * s_in,
        "Wrel2": jax.random.normal(ks[5], (H, H), jnp.float32) * s_h,
        "brel2": jnp.zeros((H,), jnp.float32),
        "Wroot2": jax.random.normal(ks[6], (H, H), jnp.float32) * s_h,
        "Wrel3": jax.random.normal(ks[7], (H, H), jnp.float32) * s_h,
        "brel3": jnp.zeros((H,), jnp.float32),
        "Wroot3": jax.random.normal(ks[8], (H, H), jnp.float32) * s_h,
        "W_lin1": jax.random.normal(ks[9], (128, 2 * H), jnp.float32) * s_2h,
        "b_lin1": jnp.zeros((128,), jnp.float32),
        "W_lin2": jax.random.normal(ks[10], (64, 128), jnp.float32) * s_128,
        "b_lin2": jnp.zeros((64,), jnp.float32),
        "W_lin3": jax.random.normal(ks[11], (DOUT, 64), jnp.float32) * s_64,
        "b_lin3": jnp.zeros((DOUT,), jnp.float32),
    }
    return inp


def _graph_conv(x, src, dst, Wrel, brel, Wroot):
    # PyG GraphConv: out = lin_rel(sum_{j in N(i)} x_j) + lin_root(x_i)
    msg = x[src]
    agg = jax.ops.segment_sum(msg, dst, num_segments=N)
    return agg @ Wrel.T + brel + x @ Wroot.T


def _pool(x, batch):
    # concat(global_max_pool, global_mean_pool)
    mx = jax.ops.segment_max(x, batch, num_segments=B)
    sm = jax.ops.segment_sum(x, batch, num_segments=B)
    cnt = jax.ops.segment_sum(jnp.ones((x.shape[0], 1), x.dtype), batch, num_segments=B)
    mean = sm / jnp.maximum(cnt, 1.0)
    return jnp.concatenate([mx, mean], axis=1)


def reference(x, edge_index, batch, Wrel1, brel1, Wroot1, Wrel2, brel2, Wroot2,
              Wrel3, brel3, Wroot3, W_lin1, b_lin1, W_lin2, b_lin2, W_lin3, b_lin3):
    src = edge_index[0]
    dst = edge_index[1]
    h = jax.nn.relu(_graph_conv(x, src, dst, Wrel1, brel1, Wroot1))
    x1 = _pool(h, batch)
    h = jax.nn.relu(_graph_conv(h, src, dst, Wrel2, brel2, Wroot2))
    x2 = _pool(h, batch)
    h = jax.nn.relu(_graph_conv(h, src, dst, Wrel3, brel3, Wroot3))
    x3 = _pool(h, batch)
    g = x1 + x2 + x3
    encoding = g
    g = jax.nn.relu(g @ W_lin1.T + b_lin1)
    # F.dropout result is unassigned in the original forward -> no-op
    g = jax.nn.relu(g @ W_lin2.T + b_lin2)
    out = g @ W_lin3.T + b_lin3
    return (out, jax.lax.stop_gradient(encoding))

if __name__ == "__main__":
    import jax
    _d = setup_inputs()
    print(jax.jit(kernel)(*tuple(_d.values())))

</pallas_src>

<mosaic_0001>
#map = affine_map<(d0, d1) -> (0, 0)>
#map1 = affine_map<(d0, d1) -> (0)>
module attributes {stable_mosaic.version = 14 : i64} {
  func.func @k(%arg0: i32, %arg1: i32, %arg2: memref<10000x128xf32, #tpu.memory_space<hbm>>, %arg3: memref<320000xi32, #tpu.memory_space<hbm>>, %arg4: memref<320000xi32, #tpu.memory_space<hbm>>, %arg5: memref<10240x128xf32, #tpu.memory_space<hbm>>, %arg6: memref<20480x128xf32, #tpu.memory_space<hbm>>, %arg7: memref<80xi32, #tpu.memory_space<vmem>>, %arg8: memref<80xi32, #tpu.memory_space<vmem>>, %arg9: memref<80x128xf32, #tpu.memory_space<vmem>>, %arg10: memref<10240x128xf32, #tpu.memory_space<vmem_shared>>, %arg11: memref<!tpu.dma_semaphore, #tpu.memory_space<semaphore_mem>>, %arg12: memref<!tpu.dma_semaphore, #tpu.memory_space<semaphore_mem>>) attributes {dimension_semantics = [#tpu.dimension_semantics<core_parallel>, #tpu.dimension_semantics<subcore_parallel>], iteration_bounds = array<i64: 2, 16>, scalar_prefetch = 0 : i64, scratch_operands = 6 : i64, tpu.core_type = #tpu.core_type<sc_vector_subcore>, window_params = [{transform_indices = #map}, {transform_indices = #map1}, {transform_indices = #map1}, {transform_indices = #map}, {transform_indices = #map}]} {
    %mul3A = arith.constant 16 : i32
    %mul3A_0 = arith.muli %arg0, %mul3A : i32
    %add3A = arith.addi %mul3A_0, %arg1 : i32
    %mul3A_1 = arith.constant 640 : i32
    %mul3A_2 = arith.muli %arg1, %mul3A_1 : i32
    %mul3A_3 = arith.constant 640 : i32
    %mul3A_4 = arith.muli %arg1, %mul3A_3 : i32
    "tpu.region"() ({
      %run_scoped3A = tpu.sem_alloc : memref<!tpu.dma_semaphore, #tpu.memory_space<semaphore_mem>>
      %dma_start3A = arith.constant 0 : i32
      %dma_start3A_22 = tpu.memref_slice %arg10[%mul3A_4, %dma_start3A] : memref<10240x128xf32, #tpu.memory_space<vmem_shared>> -> memref<640x128xf32, #tpu.memory_space<vmem_shared>>
      %dma_start3A_23 = arith.constant 0 : i32
      %dma_start3A_24 = tpu.memref_slice %arg5[%mul3A_2, %dma_start3A_23] : memref<10240x128xf32, #tpu.memory_space<hbm>> -> memref<640x128xf32, #tpu.memory_space<hbm>>
      tpu.enqueue_dma source(%dma_start3A_24 : memref<640x128xf32, #tpu.memory_space<hbm>>) target(%dma_start3A_22 : memref<640x128xf32, #tpu.memory_space<vmem_shared>>) target_semaphore(%run_scoped3A : memref<!tpu.dma_semaphore, #tpu.memory_space<semaphore_mem>>)
      %dma_wait3A = arith.constant 0 : i32
      %dma_wait3A_25 = tpu.memref_slice %arg10[%mul3A_4, %dma_wait3A] : memref<10240x128xf32, #tpu.memory_space<vmem_shared>> -> memref<640x128xf32, #tpu.memory_space<vmem_shared>>
      %dma_wait3A_26 = arith.constant 0 : i32
      %dma_wait3A_27 = tpu.memref_slice %arg5[%mul3A_2, %dma_wait3A_26] : memref<10240x128xf32, #tpu.memory_space<hbm>> -> memref<640x128xf32, #tpu.memory_space<hbm>>
      tpu.wait_dma2 semaphore(%run_scoped3A : memref<!tpu.dma_semaphore, #tpu.memory_space<semaphore_mem>>) src(%dma_wait3A_27 : memref<640x128xf32, #tpu.memory_space<hbm>>) dst(%dma_wait3A_25 : memref<640x128xf32, #tpu.memory_space<vmem_shared>>)
      tpu.yield
    }) : () -> ()
    %mul3A_5 = arith.constant 125 : i32
    %mul3A_6 = arith.muli %add3A, %mul3A_5 : i32
    %mul3A_7 = arith.constant 80 : i32
    %mul3A_8 = arith.muli %mul3A_6, %mul3A_7 : i32
    %barrier3A = arith.constant 0 : index
    tpu.barrier barrier_id(%barrier3A)
    %scan3A = arith.constant 0 : i32
    %scan3A_9 = arith.constant 0 : i32
    %scan3A_10 = arith.constant 125 : i32
    %scan3A_11 = arith.addi %scan3A_9, %scan3A_10 : i32
    %scan3A_12 = arith.constant 1 : i32
    scf.for %scan3A_22 = %scan3A_9 to %scan3A_11 step %scan3A_12  : i32 {
      %mul3A_23 = arith.constant 80 : i32
      %mul3A_24 = arith.muli %scan3A_22, %mul3A_23 : i32
      %add3A_25 = arith.addi %mul3A_8, %mul3A_24 : i32
      %mul3A_26 = arith.constant 80 : i32
      %mul3A_27 = arith.muli %scan3A_22, %mul3A_26 : i32
      %add3A_28 = arith.addi %mul3A_8, %mul3A_27 : i32
      %dma_start3A = tpu.memref_slice %arg3[%add3A_25] : memref<320000xi32, #tpu.memory_space<hbm>> -> memref<80xi32, #tpu.memory_space<hbm>>
      %dma_start3A_29 = tpu.memref_slice %arg3[%add3A_25] : memref<320000xi32, #tpu.memory_space<hbm>> -> memref<80xi32, #tpu.memory_space<hbm>>
      tpu.enqueue_dma source(%dma_start3A_29 : memref<80xi32, #tpu.memory_space<hbm>>) target(%arg7 : memref<80xi32, #tpu.memory_space<vmem>>) target_semaphore(%arg11 : memref<!tpu.dma_semaphore, #tpu.memory_space<semaphore_mem>>)
      %dma_start3A_30 = tpu.memref_slice %arg4[%add3A_28] : memref<320000xi32, #tpu.memory_space<hbm>> -> memref<80xi32, #tpu.memory_space<hbm>>
      %dma_start3A_31 = tpu.memref_slice %arg4[%add3A_28] : memref<320000xi32, #tpu.memory_space<hbm>> -> memref<80xi32, #tpu.memory_space<hbm>>
      tpu.enqueue_dma source(%dma_start3A_31 : memref<80xi32, #tpu.memory_space<hbm>>) target(%arg8 : memref<80xi32, #tpu.memory_space<vmem>>) target_semaphore(%arg11 : memref<!tpu.dma_semaphore, #tpu.memory_space<semaphore_mem>>)
      %mul3A_32 = arith.constant 80 : i32
      %mul3A_33 = arith.muli %scan3A_22, %mul3A_32 : i32
      %add3A_34 = arith.addi %mul3A_8, %mul3A_33 : i32
      %mul3A_35 = arith.constant 80 : i32
      %mul3A_36 = arith.muli %scan3A_22, %mul3A_35 : i32
      %add3A_37 = arith.addi %mul3A_8, %mul3A_36 : i32
      %dma_wait3A = tpu.memref_slice %arg3[%add3A_34] : memref<320000xi32, #tpu.memory_space<hbm>> -> memref<80xi32, #tpu.memory_space<hbm>>
      %dma_wait3A_38 = tpu.memref_slice %arg3[%add3A_34] : memref<320000xi32, #tpu.memory_space<hbm>> -> memref<80xi32, #tpu.memory_space<hbm>>
      tpu.wait_dma2 semaphore(%arg11 : memref<!tpu.dma_semaphore, #tpu.memory_space<semaphore_mem>>) src(%dma_wait3A_38 : memref<80xi32, #tpu.memory_space<hbm>>) dst(%arg7 : memref<80xi32, #tpu.memory_space<vmem>>)
      %dma_wait3A_39 = tpu.memref_slice %arg4[%add3A_37] : memref<320000xi32, #tpu.memory_space<hbm>> -> memref<80xi32, #tpu.memory_space<hbm>>
      %dma_wait3A_40 = tpu.memref_slice %arg4[%add3A_37] : memref<320000xi32, #tpu.memory_space<hbm>> -> memref<80xi32, #tpu.memory_space<hbm>>
      tpu.wait_dma2 semaphore(%arg11 : memref<!tpu.dma_semaphore, #tpu.memory_space<semaphore_mem>>) src(%dma_wait3A_40 : memref<80xi32, #tpu.memory_space<hbm>>) dst(%arg8 : memref<80xi32, #tpu.memory_space<vmem>>)
      %dma_start3A_41 = arith.constant 0 : i32
      %dma_start3A_42 = arith.constant 0 : i32
      %dma_start3A_43 = tpu.memref_slice %arg2[%dma_start3A_41, %dma_start3A_42] : memref<10000x128xf32, #tpu.memory_space<hbm>> -> memref<10000x128xf32, #tpu.memory_space<hbm>>
      tpu.enqueue_indirect_dma source(%dma_start3A_43 : memref<10000x128xf32, #tpu.memory_space<hbm>>) target(%arg9 : memref<80x128xf32, #tpu.memory_space<vmem>>) offsets(%arg7 : memref<80xi32, #tpu.memory_space<vmem>>) semaphore(%arg12 : memref<!tpu.dma_semaphore, #tpu.memory_space<semaphore_mem>>)
      %dma_wait3A_44 = arith.constant 0 : i32
      %dma_wait3A_45 = arith.constant 0 : i32
      %dma_wait3A_46 = tpu.memref_slice %arg2[%dma_wait3A_44, %dma_wait3A_45] : memref<10000x128xf32, #tpu.memory_space<hbm>> -> memref<10000x128xf32, #tpu.memory_space<hbm>>
      tpu.wait_indirect_dma semaphore(%arg12 : memref<!tpu.dma_semaphore, #tpu.memory_space<semaphore_mem>>) src(%dma_wait3A_46 : memref<10000x128xf32, #tpu.memory_space<hbm>>) dst(%arg9 : memref<80x128xf32, #tpu.memory_space<vmem>>)
      "tpu.region"() ({
        %run_scoped3A = tpu.sem_alloc : memref<!tpu.dma_semaphore, #tpu.memory_space<semaphore_mem>>
        %dma_start3A_47 = arith.constant 0 : i32
        %dma_start3A_48 = arith.constant 0 : i32
        %dma_start3A_49 = tpu.memref_slice %arg10[%dma_start3A_47, %dma_start3A_48] : memref<10240x128xf32, #tpu.memory_space<vmem_shared>> -> memref<10240x128xf32, #tpu.memory_space<vmem_shared>>
        tpu.enqueue_indirect_dma source(%arg9 : memref<80x128xf32, #tpu.memory_space<vmem>>) target(%dma_start3A_49 : memref<10240x128xf32, #tpu.memory_space<vmem_shared>>) offsets(%arg8 : memref<80xi32, #tpu.memory_space<vmem>>) semaphore(%run_scoped3A : memref<!tpu.dma_semaphore, #tpu.memory_space<semaphore_mem>>) {add = true}
        %dma_wait3A_50 = arith.constant 0 : i32
        %dma_wait3A_51 = arith.constant 0 : i32
        %dma_wait3A_52 = tpu.memref_slice %arg10[%dma_wait3A_50, %dma_wait3A_51] : memref<10240x128xf32, #tpu.memory_space<vmem_shared>> -> memref<10240x128xf32, #tpu.memory_space<vmem_shared>>
        tpu.wait_indirect_dma semaphore(%run_scoped3A : memref<!tpu.dma_semaphore, #tpu.memory_space<semaphore_mem>>) src(%arg9 : memref<80x128xf32, #tpu.memory_space<vmem>>) dst(%dma_wait3A_52 : memref<10240x128xf32, #tpu.memory_space<vmem_shared>>)
        tpu.yield
      }) : () -> ()
    }
    %scan3A_13 = arith.constant 125 : i32
    %barrier3A_14 = arith.constant 0 : index
    tpu.barrier barrier_id(%barrier3A_14)
    %mul3A_15 = arith.constant 640 : i32
    %mul3A_16 = arith.muli %arg1, %mul3A_15 : i32
    %mul3A_17 = arith.constant 10240 : i32
    %mul3A_18 = arith.muli %arg0, %mul3A_17 : i32
    %mul3A_19 = arith.constant 640 : i32
    %mul3A_20 = arith.muli %arg1, %mul3A_19 : i32
    %add3A_21 = arith.addi %mul3A_18, %mul3A_20 : i32
    "tpu.region"() ({
      %run_scoped3A = tpu.sem_alloc : memref<!tpu.dma_semaphore, #tpu.memory_space<semaphore_mem>>
      %dma_start3A = arith.constant 0 : i32
      %dma_start3A_22 = tpu.memref_slice %arg6[%add3A_21, %dma_start3A] : memref<20480x128xf32, #tpu.memory_space<hbm>> -> memref<640x128xf32, #tpu.memory_space<hbm>>
      %dma_start3A_23 = arith.constant 0 : i32
      %dma_start3A_24 = tpu.memref_slice %arg10[%mul3A_16, %dma_start3A_23] : memref<10240x128xf32, #tpu.memory_space<vmem_shared>> -> memref<640x128xf32, #tpu.memory_space<vmem_shared>>
      tpu.enqueue_dma source(%dma_start3A_24 : memref<640x128xf32, #tpu.memory_space<vmem_shared>>) target(%dma_start3A_22 : memref<640x128xf32, #tpu.memory_space<hbm>>) target_semaphore(%run_scoped3A : memref<!tpu.dma_semaphore, #tpu.memory_space<semaphore_mem>>)
      %dma_wait3A = arith.constant 0 : i32
      %dma_wait3A_25 = tpu.memref_slice %arg6[%add3A_21, %dma_wait3A] : memref<20480x128xf32, #tpu.memory_space<hbm>> -> memref<640x128xf32, #tpu.memory_space<hbm>>
      %dma_wait3A_26 = arith.constant 0 : i32
      %dma_wait3A_27 = tpu.memref_slice %arg10[%mul3A_16, %dma_wait3A_26] : memref<10240x128xf32, #tpu.memory_space<vmem_shared>> -> memref<640x128xf32, #tpu.memory_space<vmem_shared>>
      tpu.wait_dma2 semaphore(%run_scoped3A : memref<!tpu.dma_semaphore, #tpu.memory_space<semaphore_mem>>) src(%dma_wait3A_27 : memref<640x128xf32, #tpu.memory_space<vmem_shared>>) dst(%dma_wait3A_25 : memref<640x128xf32, #tpu.memory_space<hbm>>)
      tpu.yield
    }) : () -> ()
    return
  }
}

#map = affine_map<(d0, d1) -> (0, 0)>
#map1 = affine_map<(d0, d1) -> (0)>
module attributes {stable_mosaic.version = 14 : i64} {
  func.func @k(%arg0: i32, %arg1: i32, %arg2: memref<10000x128xf32, #tpu.memory_space<hbm>>, %arg3: memref<320000xi32, #tpu.memory_space<hbm>>, %arg4: memref<320000xi32, #tpu.memory_space<hbm>>, %arg5: memref<10240x128xf32, #tpu.memory_space<hbm>>, %arg6: memref<20480x128xf32, #tpu.memory_space<hbm>>, %arg7: memref<80xi32, #tpu.memory_space<vmem>>, %arg8: memref<80xi32, #tpu.memory_space<vmem>>, %arg9: memref<80x128xf32, #tpu.memory_space<vmem>>, %arg10: memref<10240x128xf32, #tpu.memory_space<vmem_shared>>, %arg11: memref<!tpu.dma_semaphore, #tpu.memory_space<semaphore_mem>>, %arg12: memref<!tpu.dma_semaphore, #tpu.memory_space<semaphore_mem>>) attributes {dimension_semantics = [#tpu.dimension_semantics<core_parallel>, #tpu.dimension_semantics<subcore_parallel>], iteration_bounds = array<i64: 2, 16>, scalar_prefetch = 0 : i64, scratch_operands = 6 : i64, tpu.core_type = #tpu.core_type<sc_vector_subcore>, window_params = [{transform_indices = #map}, {transform_indices = #map1}, {transform_indices = #map1}, {transform_indices = #map}, {transform_indices = #map}]} {
    %mul3A = arith.constant 16 : i32
    %mul3A_0 = arith.muli %arg0, %mul3A : i32
    %add3A = arith.addi %mul3A_0, %arg1 : i32
    %mul3A_1 = arith.constant 640 : i32
    %mul3A_2 = arith.muli %arg1, %mul3A_1 : i32
    %mul3A_3 = arith.constant 640 : i32
    %mul3A_4 = arith.muli %arg1, %mul3A_3 : i32
    "tpu.region"() ({
      %run_scoped3A = tpu.sem_alloc : memref<!tpu.dma_semaphore, #tpu.memory_space<semaphore_mem>>
      %dma_start3A = arith.constant 0 : i32
      %dma_start3A_22 = tpu.memref_slice %arg10[%mul3A_4, %dma_start3A] : memref<10240x128xf32, #tpu.memory_space<vmem_shared>> -> memref<640x128xf32, #tpu.memory_space<vmem_shared>>
      %dma_start3A_23 = arith.constant 0 : i32
      %dma_start3A_24 = tpu.memref_slice %arg5[%mul3A_2, %dma_start3A_23] : memref<10240x128xf32, #tpu.memory_space<hbm>> -> memref<640x128xf32, #tpu.memory_space<hbm>>
      tpu.enqueue_dma source(%dma_start3A_24 : memref<640x128xf32, #tpu.memory_space<hbm>>) target(%dma_start3A_22 : memref<640x128xf32, #tpu.memory_space<vmem_shared>>) target_semaphore(%run_scoped3A : memref<!tpu.dma_semaphore, #tpu.memory_space<semaphore_mem>>)
      %dma_wait3A = arith.constant 0 : i32
      %dma_wait3A_25 = tpu.memref_slice %arg10[%mul3A_4, %dma_wait3A] : memref<10240x128xf32, #tpu.memory_space<vmem_shared>> -> memref<640x128xf32, #tpu.memory_space<vmem_shared>>
      %dma_wait3A_26 = arith.constant 0 : i32
      %dma_wait3A_27 = tpu.memref_slice %arg5[%mul3A_2, %dma_wait3A_26] : memref<10240x128xf32, #tpu.memory_space<hbm>> -> memref<640x128xf32, #tpu.memory_space<hbm>>
      tpu.wait_dma2 semaphore(%run_scoped3A : memref<!tpu.dma_semaphore, #tpu.memory_space<semaphore_mem>>) src(%dma_wait3A_27 : memref<640x128xf32, #tpu.memory_space<hbm>>) dst(%dma_wait3A_25 : memref<640x128xf32, #tpu.memory_space<vmem_shared>>)
      tpu.yield
    }) : () -> ()
    %mul3A_5 = arith.constant 125 : i32
    %mul3A_6 = arith.muli %add3A, %mul3A_5 : i32
    %mul3A_7 = arith.constant 80 : i32
    %mul3A_8 = arith.muli %mul3A_6, %mul3A_7 : i32
    %barrier3A = arith.constant 0 : index
    tpu.barrier barrier_id(%barrier3A)
    %scan3A = arith.constant 0 : i32
    %scan3A_9 = arith.constant 0 : i32
    %scan3A_10 = arith.constant 125 : i32
    %scan3A_11 = arith.addi %scan3A_9, %scan3A_10 : i32
    %scan3A_12 = arith.constant 1 : i32
    scf.for %scan3A_22 = %scan3A_9 to %scan3A_11 step %scan3A_12  : i32 {
      %mul3A_23 = arith.constant 80 : i32
      %mul3A_24 = arith.muli %scan3A_22, %mul3A_23 : i32
      %add3A_25 = arith.addi %mul3A_8, %mul3A_24 : i32
      %mul3A_26 = arith.constant 80 : i32
      %mul3A_27 = arith.muli %scan3A_22, %mul3A_26 : i32
      %add3A_28 = arith.addi %mul3A_8, %mul3A_27 : i32
      %dma_start3A = tpu.memref_slice %arg3[%add3A_25] : memref<320000xi32, #tpu.memory_space<hbm>> -> memref<80xi32, #tpu.memory_space<hbm>>
      %dma_start3A_29 = tpu.memref_slice %arg3[%add3A_25] : memref<320000xi32, #tpu.memory_space<hbm>> -> memref<80xi32, #tpu.memory_space<hbm>>
      tpu.enqueue_dma source(%dma_start3A_29 : memref<80xi32, #tpu.memory_space<hbm>>) target(%arg7 : memref<80xi32, #tpu.memory_space<vmem>>) target_semaphore(%arg11 : memref<!tpu.dma_semaphore, #tpu.memory_space<semaphore_mem>>)
      %dma_start3A_30 = tpu.memref_slice %arg4[%add3A_28] : memref<320000xi32, #tpu.memory_space<hbm>> -> memref<80xi32, #tpu.memory_space<hbm>>
      %dma_start3A_31 = tpu.memref_slice %arg4[%add3A_28] : memref<320000xi32, #tpu.memory_space<hbm>> -> memref<80xi32, #tpu.memory_space<hbm>>
      tpu.enqueue_dma source(%dma_start3A_31 : memref<80xi32, #tpu.memory_space<hbm>>) target(%arg8 : memref<80xi32, #tpu.memory_space<vmem>>) target_semaphore(%arg11 : memref<!tpu.dma_semaphore, #tpu.memory_space<semaphore_mem>>)
      %mul3A_32 = arith.constant 80 : i32
      %mul3A_33 = arith.muli %scan3A_22, %mul3A_32 : i32
      %add3A_34 = arith.addi %mul3A_8, %mul3A_33 : i32
      %mul3A_35 = arith.constant 80 : i32
      %mul3A_36 = arith.muli %scan3A_22, %mul3A_35 : i32
      %add3A_37 = arith.addi %mul3A_8, %mul3A_36 : i32
      %dma_wait3A = tpu.memref_slice %arg3[%add3A_34] : memref<320000xi32, #tpu.memory_space<hbm>> -> memref<80xi32, #tpu.memory_space<hbm>>
      %dma_wait3A_38 = tpu.memref_slice %arg3[%add3A_34] : memref<320000xi32, #tpu.memory_space<hbm>> -> memref<80xi32, #tpu.memory_space<hbm>>
      tpu.wait_dma2 semaphore(%arg11 : memref<!tpu.dma_semaphore, #tpu.memory_space<semaphore_mem>>) src(%dma_wait3A_38 : memref<80xi32, #tpu.memory_space<hbm>>) dst(%arg7 : memref<80xi32, #tpu.memory_space<vmem>>)
      %dma_wait3A_39 = tpu.memref_slice %arg4[%add3A_37] : memref<320000xi32, #tpu.memory_space<hbm>> -> memref<80xi32, #tpu.memory_space<hbm>>
      %dma_wait3A_40 = tpu.memref_slice %arg4[%add3A_37] : memref<320000xi32, #tpu.memory_space<hbm>> -> memref<80xi32, #tpu.memory_space<hbm>>
      tpu.wait_dma2 semaphore(%arg11 : memref<!tpu.dma_semaphore, #tpu.memory_space<semaphore_mem>>) src(%dma_wait3A_40 : memref<80xi32, #tpu.memory_space<hbm>>) dst(%arg8 : memref<80xi32, #tpu.memory_space<vmem>>)
      %dma_start3A_41 = arith.constant 0 : i32
      %dma_start3A_42 = arith.constant 0 : i32
      %dma_start3A_43 = tpu.memref_slice %arg2[%dma_start3A_41, %dma_start3A_42] : memref<10000x128xf32, #tpu.memory_space<hbm>> -> memref<10000x128xf32, #tpu.memory_space<hbm>>
      tpu.enqueue_indirect_dma source(%dma_start3A_43 : memref<10000x128xf32, #tpu.memory_space<hbm>>) target(%arg9 : memref<80x128xf32, #tpu.memory_space<vmem>>) offsets(%arg7 : memref<80xi32, #tpu.memory_space<vmem>>) semaphore(%arg12 : memref<!tpu.dma_semaphore, #tpu.memory_space<semaphore_mem>>)
      %dma_wait3A_44 = arith.constant 0 : i32
      %dma_wait3A_45 = arith.constant 0 : i32
      %dma_wait3A_46 = tpu.memref_slice %arg2[%dma_wait3A_44, %dma_wait3A_45] : memref<10000x128xf32, #tpu.memory_space<hbm>> -> memref<10000x128xf32, #tpu.memory_space<hbm>>
      tpu.wait_indirect_dma semaphore(%arg12 : memref<!tpu.dma_semaphore, #tpu.memory_space<semaphore_mem>>) src(%dma_wait3A_46 : memref<10000x128xf32, #tpu.memory_space<hbm>>) dst(%arg9 : memref<80x128xf32, #tpu.memory_space<vmem>>)
      "tpu.region"() ({
        %run_scoped3A = tpu.sem_alloc : memref<!tpu.dma_semaphore, #tpu.memory_space<semaphore_mem>>
        %dma_start3A_47 = arith.constant 0 : i32
        %dma_start3A_48 = arith.constant 0 : i32
        %dma_start3A_49 = tpu.memref_slice %arg10[%dma_start3A_47, %dma_start3A_48] : memref<10240x128xf32, #tpu.memory_space<vmem_shared>> -> memref<10240x128xf32, #tpu.memory_space<vmem_shared>>
        tpu.enqueue_indirect_dma source(%arg9 : memref<80x128xf32, #tpu.memory_space<vmem>>) target(%dma_start3A_49 : memref<10240x128xf32, #tpu.memory_space<vmem_shared>>) offsets(%arg8 : memref<80xi32, #tpu.memory_space<vmem>>) semaphore(%run_scoped3A : memref<!tpu.dma_semaphore, #tpu.memory_space<semaphore_mem>>) {add = true}
        %dma_wait3A_50 = arith.constant 0 : i32
        %dma_wait3A_51 = arith.constant 0 : i32
        %dma_wait3A_52 = tpu.memref_slice %arg10[%dma_wait3A_50, %dma_wait3A_51] : memref<10240x128xf32, #tpu.memory_space<vmem_shared>> -> memref<10240x128xf32, #tpu.memory_space<vmem_shared>>
        tpu.wait_indirect_dma semaphore(%run_scoped3A : memref<!tpu.dma_semaphore, #tpu.memory_space<semaphore_mem>>) src(%arg9 : memref<80x128xf32, #tpu.memory_space<vmem>>) dst(%dma_wait3A_52 : memref<10240x128xf32, #tpu.memory_space<vmem_shared>>)
        tpu.yield
      }) : () -> ()
    }
    %scan3A_13 = arith.constant 125 : i32
    %barrier3A_14 = arith.constant 0 : index
    tpu.barrier barrier_id(%barrier3A_14)
    %mul3A_15 = arith.constant 640 : i32
    %mul3A_16 = arith.muli %arg1, %mul3A_15 : i32
    %mul3A_17 = arith.constant 10240 : i32
    %mul3A_18 = arith.muli %arg0, %mul3A_17 : i32
    %mul3A_19 = arith.constant 640 : i32
    %mul3A_20 = arith.muli %arg1, %mul3A_19 : i32
    %add3A_21 = arith.addi %mul3A_18, %mul3A_20 : i32
    "tpu.region"() ({
      %run_scoped3A = tpu.sem_alloc : memref<!tpu.dma_semaphore, #tpu.memory_space<semaphore_mem>>
      %dma_start3A = arith.constant 0 : i32
      %dma_start3A_22 = tpu.memref_slice %arg6[%add3A_21, %dma_start3A] : memref<20480x128xf32, #tpu.memory_space<hbm>> -> memref<640x128xf32, #tpu.memory_space<hbm>>
      %dma_start3A_23 = arith.constant 0 : i32
      %dma_start3A_24 = tpu.memref_slice %arg10[%mul3A_16, %dma_start3A_23] : memref<10240x128xf32, #tpu.memory_space<vmem_shared>> -> memref<640x128xf32, #tpu.memory_space<vmem_shared>>
      tpu.enqueue_dma source(%dma_start3A_24 : memref<640x128xf32, #tpu.memory_space<vmem_shared>>) target(%dma_start3A_22 : memref<640x128xf32, #tpu.memory_space<hbm>>) target_semaphore(%run_scoped3A : memref<!tpu.dma_semaphore, #tpu.memory_space<semaphore_mem>>)
      %dma_wait3A = arith.constant 0 : i32
      %dma_wait3A_25 = tpu.memref_slice %arg6[%add3A_21, %dma_wait3A] : memref<20480x128xf32, #tpu.memory_space<hbm>> -> memref<640x128xf32, #tpu.memory_space<hbm>>
      %dma_wait3A_26 = arith.constant 0 : i32
      %dma_wait3A_27 = tpu.memref_slice %arg10[%mul3A_16, %dma_wait3A_26] : memref<10240x128xf32, #tpu.memory_space<vmem_shared>> -> memref<640x128xf32, #tpu.memory_space<vmem_shared>>
      tpu.wait_dma2 semaphore(%run_scoped3A : memref<!tpu.dma_semaphore, #tpu.memory_space<semaphore_mem>>) src(%dma_wait3A_27 : memref<640x128xf32, #tpu.memory_space<vmem_shared>>) dst(%dma_wait3A_25 : memref<640x128xf32, #tpu.memory_space<hbm>>)
      tpu.yield
    }) : () -> ()
    return
  }
}

#map = affine_map<(d0, d1) -> (0, 0)>
#map1 = affine_map<(d0, d1) -> (0)>
module attributes {stable_mosaic.version = 14 : i64} {
  func.func @k(%arg0: i32, %arg1: i32, %arg2: memref<10000x128xf32, #tpu.memory_space<hbm>>, %arg3: memref<320000xi32, #tpu.memory_space<hbm>>, %arg4: memref<320000xi32, #tpu.memory_space<hbm>>, %arg5: memref<10240x128xf32, #tpu.memory_space<hbm>>, %arg6: memref<20480x128xf32, #tpu.memory_space<hbm>>, %arg7: memref<80xi32, #tpu.memory_space<vmem>>, %arg8: memref<80xi32, #tpu.memory_space<vmem>>, %arg9: memref<80x128xf32, #tpu.memory_space<vmem>>, %arg10: memref<10240x128xf32, #tpu.memory_space<vmem_shared>>, %arg11: memref<!tpu.dma_semaphore, #tpu.memory_space<semaphore_mem>>, %arg12: memref<!tpu.dma_semaphore, #tpu.memory_space<semaphore_mem>>) attributes {dimension_semantics = [#tpu.dimension_semantics<core_parallel>, #tpu.dimension_semantics<subcore_parallel>], iteration_bounds = array<i64: 2, 16>, scalar_prefetch = 0 : i64, scratch_operands = 6 : i64, tpu.core_type = #tpu.core_type<sc_vector_subcore>, window_params = [{transform_indices = #map}, {transform_indices = #map1}, {transform_indices = #map1}, {transform_indices = #map}, {transform_indices = #map}]} {
    %mul3A = arith.constant 16 : i32
    %mul3A_0 = arith.muli %arg0, %mul3A : i32
    %add3A = arith.addi %mul3A_0, %arg1 : i32
    %mul3A_1 = arith.constant 640 : i32
    %mul3A_2 = arith.muli %arg1, %mul3A_1 : i32
    %mul3A_3 = arith.constant 640 : i32
    %mul3A_4 = arith.muli %arg1, %mul3A_3 : i32
    "tpu.region"() ({
      %run_scoped3A = tpu.sem_alloc : memref<!tpu.dma_semaphore, #tpu.memory_space<semaphore_mem>>
      %dma_start3A = arith.constant 0 : i32
      %dma_start3A_22 = tpu.memref_slice %arg10[%mul3A_4, %dma_start3A] : memref<10240x128xf32, #tpu.memory_space<vmem_shared>> -> memref<640x128xf32, #tpu.memory_space<vmem_shared>>
      %dma_start3A_23 = arith.constant 0 : i32
      %dma_start3A_24 = tpu.memref_slice %arg5[%mul3A_2, %dma_start3A_23] : memref<10240x128xf32, #tpu.memory_space<hbm>> -> memref<640x128xf32, #tpu.memory_space<hbm>>
      tpu.enqueue_dma source(%dma_start3A_24 : memref<640x128xf32, #tpu.memory_space<hbm>>) target(%dma_start3A_22 : memref<640x128xf32, #tpu.memory_space<vmem_shared>>) target_semaphore(%run_scoped3A : memref<!tpu.dma_semaphore, #tpu.memory_space<semaphore_mem>>)
      %dma_wait3A = arith.constant 0 : i32
      %dma_wait3A_25 = tpu.memref_slice %arg10[%mul3A_4, %dma_wait3A] : memref<10240x128xf32, #tpu.memory_space<vmem_shared>> -> memref<640x128xf32, #tpu.memory_space<vmem_shared>>
      %dma_wait3A_26 = arith.constant 0 : i32
      %dma_wait3A_27 = tpu.memref_slice %arg5[%mul3A_2, %dma_wait3A_26] : memref<10240x128xf32, #tpu.memory_space<hbm>> -> memref<640x128xf32, #tpu.memory_space<hbm>>
      tpu.wait_dma2 semaphore(%run_scoped3A : memref<!tpu.dma_semaphore, #tpu.memory_space<semaphore_mem>>) src(%dma_wait3A_27 : memref<640x128xf32, #tpu.memory_space<hbm>>) dst(%dma_wait3A_25 : memref<640x128xf32, #tpu.memory_space<vmem_shared>>)
      tpu.yield
    }) : () -> ()
    %mul3A_5 = arith.constant 125 : i32
    %mul3A_6 = arith.muli %add3A, %mul3A_5 : i32
    %mul3A_7 = arith.constant 80 : i32
    %mul3A_8 = arith.muli %mul3A_6, %mul3A_7 : i32
    %barrier3A = arith.constant 0 : index
    tpu.barrier barrier_id(%barrier3A)
    %scan3A = arith.constant 0 : i32
    %scan3A_9 = arith.constant 0 : i32
    %scan3A_10 = arith.constant 125 : i32
    %scan3A_11 = arith.addi %scan3A_9, %scan3A_10 : i32
    %scan3A_12 = arith.constant 1 : i32
    scf.for %scan3A_22 = %scan3A_9 to %scan3A_11 step %scan3A_12  : i32 {
      %mul3A_23 = arith.constant 80 : i32
      %mul3A_24 = arith.muli %scan3A_22, %mul3A_23 : i32
      %add3A_25 = arith.addi %mul3A_8, %mul3A_24 : i32
      %mul3A_26 = arith.constant 80 : i32
      %mul3A_27 = arith.muli %scan3A_22, %mul3A_26 : i32
      %add3A_28 = arith.addi %mul3A_8, %mul3A_27 : i32
      %dma_start3A = tpu.memref_slice %arg3[%add3A_25] : memref<320000xi32, #tpu.memory_space<hbm>> -> memref<80xi32, #tpu.memory_space<hbm>>
      %dma_start3A_29 = tpu.memref_slice %arg3[%add3A_25] : memref<320000xi32, #tpu.memory_space<hbm>> -> memref<80xi32, #tpu.memory_space<hbm>>
      tpu.enqueue_dma source(%dma_start3A_29 : memref<80xi32, #tpu.memory_space<hbm>>) target(%arg7 : memref<80xi32, #tpu.memory_space<vmem>>) target_semaphore(%arg11 : memref<!tpu.dma_semaphore, #tpu.memory_space<semaphore_mem>>)
      %dma_start3A_30 = tpu.memref_slice %arg4[%add3A_28] : memref<320000xi32, #tpu.memory_space<hbm>> -> memref<80xi32, #tpu.memory_space<hbm>>
      %dma_start3A_31 = tpu.memref_slice %arg4[%add3A_28] : memref<320000xi32, #tpu.memory_space<hbm>> -> memref<80xi32, #tpu.memory_space<hbm>>
      tpu.enqueue_dma source(%dma_start3A_31 : memref<80xi32, #tpu.memory_space<hbm>>) target(%arg8 : memref<80xi32, #tpu.memory_space<vmem>>) target_semaphore(%arg11 : memref<!tpu.dma_semaphore, #tpu.memory_space<semaphore_mem>>)
      %mul3A_32 = arith.constant 80 : i32
      %mul3A_33 = arith.muli %scan3A_22, %mul3A_32 : i32
      %add3A_34 = arith.addi %mul3A_8, %mul3A_33 : i32
      %mul3A_35 = arith.constant 80 : i32
      %mul3A_36 = arith.muli %scan3A_22, %mul3A_35 : i32
      %add3A_37 = arith.addi %mul3A_8, %mul3A_36 : i32
      %dma_wait3A = tpu.memref_slice %arg3[%add3A_34] : memref<320000xi32, #tpu.memory_space<hbm>> -> memref<80xi32, #tpu.memory_space<hbm>>
      %dma_wait3A_38 = tpu.memref_slice %arg3[%add3A_34] : memref<320000xi32, #tpu.memory_space<hbm>> -> memref<80xi32, #tpu.memory_space<hbm>>
      tpu.wait_dma2 semaphore(%arg11 : memref<!tpu.dma_semaphore, #tpu.memory_space<semaphore_mem>>) src(%dma_wait3A_38 : memref<80xi32, #tpu.memory_space<hbm>>) dst(%arg7 : memref<80xi32, #tpu.memory_space<vmem>>)
      %dma_wait3A_39 = tpu.memref_slice %arg4[%add3A_37] : memref<320000xi32, #tpu.memory_space<hbm>> -> memref<80xi32, #tpu.memory_space<hbm>>
      %dma_wait3A_40 = tpu.memref_slice %arg4[%add3A_37] : memref<320000xi32, #tpu.memory_space<hbm>> -> memref<80xi32, #tpu.memory_space<hbm>>
      tpu.wait_dma2 semaphore(%arg11 : memref<!tpu.dma_semaphore, #tpu.memory_space<semaphore_mem>>) src(%dma_wait3A_40 : memref<80xi32, #tpu.memory_space<hbm>>) dst(%arg8 : memref<80xi32, #tpu.memory_space<vmem>>)
      %dma_start3A_41 = arith.constant 0 : i32
      %dma_start3A_42 = arith.constant 0 : i32
      %dma_start3A_43 = tpu.memref_slice %arg2[%dma_start3A_41, %dma_start3A_42] : memref<10000x128xf32, #tpu.memory_space<hbm>> -> memref<10000x128xf32, #tpu.memory_space<hbm>>
      tpu.enqueue_indirect_dma source(%dma_start3A_43 : memref<10000x128xf32, #tpu.memory_space<hbm>>) target(%arg9 : memref<80x128xf32, #tpu.memory_space<vmem>>) offsets(%arg7 : memref<80xi32, #tpu.memory_space<vmem>>) semaphore(%arg12 : memref<!tpu.dma_semaphore, #tpu.memory_space<semaphore_mem>>)
      %dma_wait3A_44 = arith.constant 0 : i32
      %dma_wait3A_45 = arith.constant 0 : i32
      %dma_wait3A_46 = tpu.memref_slice %arg2[%dma_wait3A_44, %dma_wait3A_45] : memref<10000x128xf32, #tpu.memory_space<hbm>> -> memref<10000x128xf32, #tpu.memory_space<hbm>>
      tpu.wait_indirect_dma semaphore(%arg12 : memref<!tpu.dma_semaphore, #tpu.memory_space<semaphore_mem>>) src(%dma_wait3A_46 : memref<10000x128xf32, #tpu.memory_space<hbm>>) dst(%arg9 : memref<80x128xf32, #tpu.memory_space<vmem>>)
      "tpu.region"() ({
        %run_scoped3A = tpu.sem_alloc : memref<!tpu.dma_semaphore, #tpu.memory_space<semaphore_mem>>
        %dma_start3A_47 = arith.constant 0 : i32
        %dma_start3A_48 = arith.constant 0 : i32
        %dma_start3A_49 = tpu.memref_slice %arg10[%dma_start3A_47, %dma_start3A_48] : memref<10240x128xf32, #tpu.memory_space<vmem_shared>> -> memref<10240x128xf32, #tpu.memory_space<vmem_shared>>
        tpu.enqueue_indirect_dma source(%arg9 : memref<80x128xf32, #tpu.memory_space<vmem>>) target(%dma_start3A_49 : memref<10240x128xf32, #tpu.memory_space<vmem_shared>>) offsets(%arg8 : memref<80xi32, #tpu.memory_space<vmem>>) semaphore(%run_scoped3A : memref<!tpu.dma_semaphore, #tpu.memory_space<semaphore_mem>>) {add = true}
        %dma_wait3A_50 = arith.constant 0 : i32
        %dma_wait3A_51 = arith.constant 0 : i32
        %dma_wait3A_52 = tpu.memref_slice %arg10[%dma_wait3A_50, %dma_wait3A_51] : memref<10240x128xf32, #tpu.memory_space<vmem_shared>> -> memref<10240x128xf32, #tpu.memory_space<vmem_shared>>
        tpu.wait_indirect_dma semaphore(%run_scoped3A : memref<!tpu.dma_semaphore, #tpu.memory_space<semaphore_mem>>) src(%arg9 : memref<80x128xf32, #tpu.memory_space<vmem>>) dst(%dma_wait3A_52 : memref<10240x128xf32, #tpu.memory_space<vmem_shared>>)
        tpu.yield
      }) : () -> ()
    }
    %scan3A_13 = arith.constant 125 : i32
    %barrier3A_14 = arith.constant 0 : index
    tpu.barrier barrier_id(%barrier3A_14)
    %mul3A_15 = arith.constant 640 : i32
    %mul3A_16 = arith.muli %arg1, %mul3A_15 : i32
    %mul3A_17 = arith.constant 10240 : i32
    %mul3A_18 = arith.muli %arg0, %mul3A_17 : i32
    %mul3A_19 = arith.constant 640 : i32
    %mul3A_20 = arith.muli %arg1, %mul3A_19 : i32
    %add3A_21 = arith.addi %mul3A_18, %mul3A_20 : i32
    "tpu.region"() ({
      %run_scoped3A = tpu.sem_alloc : memref<!tpu.dma_semaphore, #tpu.memory_space<semaphore_mem>>
      %dma_start3A = arith.constant 0 : i32
      %dma_start3A_22 = tpu.memref_slice %arg6[%add3A_21, %dma_start3A] : memref<20480x128xf32, #tpu.memory_space<hbm>> -> memref<640x128xf32, #tpu.memory_space<hbm>>
      %dma_start3A_23 = arith.constant 0 : i32
      %dma_start3A_24 = tpu.memref_slice %arg10[%mul3A_16, %dma_start3A_23] : memref<10240x128xf32, #tpu.memory_space<vmem_shared>> -> memref<640x128xf32, #tpu.memory_space<vmem_shared>>
      tpu.enqueue_dma source(%dma_start3A_24 : memref<640x128xf32, #tpu.memory_space<vmem_shared>>) target(%dma_start3A_22 : memref<640x128xf32, #tpu.memory_space<hbm>>) target_semaphore(%run_scoped3A : memref<!tpu.dma_semaphore, #tpu.memory_space<semaphore_mem>>)
      %dma_wait3A = arith.constant 0 : i32
      %dma_wait3A_25 = tpu.memref_slice %arg6[%add3A_21, %dma_wait3A] : memref<20480x128xf32, #tpu.memory_space<hbm>> -> memref<640x128xf32, #tpu.memory_space<hbm>>
      %dma_wait3A_26 = arith.constant 0 : i32
      %dma_wait3A_27 = tpu.memref_slice %arg10[%mul3A_16, %dma_wait3A_26] : memref<10240x128xf32, #tpu.memory_space<vmem_shared>> -> memref<640x128xf32, #tpu.memory_space<vmem_shared>>
      tpu.wait_dma2 semaphore(%run_scoped3A : memref<!tpu.dma_semaphore, #tpu.memory_space<semaphore_mem>>) src(%dma_wait3A_27 : memref<640x128xf32, #tpu.memory_space<vmem_shared>>) dst(%dma_wait3A_25 : memref<640x128xf32, #tpu.memory_space<hbm>>)
      tpu.yield
    }) : () -> ()
    return
  }
}

module attributes {stable_mosaic.version = 14 : i64} {
  func.func @body(%arg0: i32, %arg1: memref<2x1000x128xf32, #tpu.memory_space<vmem>>, %arg2: memref<1000x128xf32, #tpu.memory_space<vmem>>, %arg3: memref<128x128xf32, #tpu.memory_space<vmem>>, %arg4: memref<1x128xf32, #tpu.memory_space<vmem>>, %arg5: memref<128x128xf32, #tpu.memory_space<vmem>>, %arg6: memref<1000x1xf32, #tpu.memory_space<vmem>>, %arg7: memref<1000x128xf32, #tpu.memory_space<vmem>>, %arg8: memref<64x128xf32, #tpu.memory_space<vmem>>, %arg9: memref<64x128xf32, #tpu.memory_space<vmem>>, %arg10: memref<64x128xf32, #tpu.memory_space<vmem>>) attributes {dimension_semantics = [#tpu.dimension_semantics<arbitrary>], iteration_bounds = array<i64: 10>, scalar_prefetch = 0 : i64, scratch_operands = 0 : i64, tpu.core_type = #tpu.core_type<tc>, window_params = [{transform_indices = @transform_0, window_bounds = array<i64: 2, 1000, 128>}, {transform_indices = @transform_1, window_bounds = array<i64: 1000, 128>}, {pipeline_mode = #tpu.pipeline_mode<synchronous>, transform_indices = @transform_2, window_bounds = array<i64: 128, 128>}, {pipeline_mode = #tpu.pipeline_mode<synchronous>, transform_indices = @transform_3, window_bounds = array<i64: 1, 128>}, {pipeline_mode = #tpu.pipeline_mode<synchronous>, transform_indices = @transform_4, window_bounds = array<i64: 128, 128>}, {transform_indices = @transform_5, window_bounds = array<i64: 1000, 1>}, {transform_indices = @transform_6, window_bounds = array<i64: 1000, 128>}, {pipeline_mode = #tpu.pipeline_mode<synchronous>, transform_indices = @transform_7, window_bounds = array<i64: 64, 128>}, {pipeline_mode = #tpu.pipeline_mode<synchronous>, transform_indices = @transform_8, window_bounds = array<i64: 64, 128>}, {pipeline_mode = #tpu.pipeline_mode<synchronous>, transform_indices = @transform_9, window_bounds = array<i64: 64, 128>}]} {
    %get3A = arith.constant 0 : index
    %get3A_0 = arith.constant 0 : index
    %get3A_1 = arith.constant 0 : index
    %get3A_2 = vector.load %arg1[%get3A, %get3A_0, %get3A_1] : memref<2x1000x128xf32, #tpu.memory_space<vmem>>, vector<1x1000x128xf32>
    %get3A_3 = vector.shape_cast %get3A_2 : vector<1x1000x128xf32> to vector<1000x128xf32>
    %get3A_4 = arith.constant 1 : index
    %get3A_5 = arith.constant 0 : index
    %get3A_6 = arith.constant 0 : index
    %get3A_7 = vector.load %arg1[%get3A_4, %get3A_5, %get3A_6] : memref<2x1000x128xf32, #tpu.memory_space<vmem>>, vector<1x1000x128xf32>
    %get3A_8 = vector.shape_cast %get3A_7 : vector<1x1000x128xf32> to vector<1000x128xf32>
    %add3A = arith.addf %get3A_3, %get3A_8 : vector<1000x128xf32>
    %get3A_9 = arith.constant 0 : index
    %get3A_10 = arith.constant 0 : index
    %get3A_11 = vector.load %arg3[%get3A_9, %get3A_10] : memref<128x128xf32, #tpu.memory_space<vmem>>, vector<128x128xf32>
    %dot_general3A = arith.constant dense<0.000000e+00> : vector<1000x128xf32>
    %dot_general3A_12 = tpu.matmul %add3A, %get3A_11, %dot_general3A {dimension_numbers = #tpu.dot_dimension_numbers<[1], [1], [0], [0], [0, 0, 1, 0], [], []>, transpose_lhs_hint = false} : vector<1000x128xf32>, vector<128x128xf32>, vector<1000x128xf32> -> vector<1000x128xf32>
    %get3A_13 = arith.constant 0 : index
    %get3A_14 = arith.constant 0 : index
    %get3A_15 = vector.load %arg4[%get3A_13, %get3A_14] : memref<1x128xf32, #tpu.memory_space<vmem>>, vector<1x128xf32>
    %add3A_16 = vector.broadcast %get3A_15 : vector<1x128xf32> to vector<1000x128xf32>
    %add3A_17 = arith.addf %dot_general3A_12, %add3A_16 : vector<1000x128xf32>
    %get3A_18 = arith.constant 0 : index
    %get3A_19 = arith.constant 0 : index
    %get3A_20 = vector.load %arg2[%get3A_18, %get3A_19] : memref<1000x128xf32, #tpu.memory_space<vmem>>, vector<1000x128xf32>
    %get3A_21 = arith.constant 0 : index
    %get3A_22 = arith.constant 0 : index
    %get3A_23 = vector.load %arg5[%get3A_21, %get3A_22] : memref<128x128xf32, #tpu.memory_space<vmem>>, vector<128x128xf32>
    %dot_general3A_24 = arith.constant dense<0.000000e+00> : vector<1000x128xf32>
    %dot_general3A_25 = tpu.matmul %get3A_20, %get3A_23, %dot_general3A_24 {dimension_numbers = #tpu.dot_dimension_numbers<[1], [1], [0], [0], [0, 0, 1, 0], [], []>, transpose_lhs_hint = false} : vector<1000x128xf32>, vector<128x128xf32>, vector<1000x128xf32> -> vector<1000x128xf32>
    %add3A_26 = arith.addf %add3A_17, %dot_general3A_25 : vector<1000x128xf32>
    %max3A = arith.constant 0.000000e+00 : f32
    %max3A_27 = vector.broadcast %max3A : f32 to vector<1000x128xf32>
    %max3A_28 = arith.maximumf %add3A_26, %max3A_27 : vector<1000x128xf32>
    %swap3A = arith.constant 0 : index
    %swap3A_29 = arith.constant 0 : index
    %swap3A_30 = vector.load %arg7[%swap3A, %swap3A_29] : memref<1000x128xf32, #tpu.memory_space<vmem>>, vector<1000x128xf32>
    tpu.vector_store %arg7[%swap3A, %swap3A_29], %max3A_28 {strides = array<i32>} : memref<1000x128xf32, #tpu.memory_space<vmem>>, vector<1000x128xf32>,
    %eq3A = arith.constant 0 : i32
    %eq3A_31 = arith.cmpi eq, %arg0, %eq3A : i32
    %convert_element_type3A = arith.extui %eq3A_31 : i1 to i32
    %cond3A = arith.constant 0 : i32
    %cond3A_32 = arith.cmpi ne, %convert_element_type3A, %cond3A : i32
    scf.if %cond3A_32 {
      %broadcast_in_dim3A = arith.constant 0xFF800000 : f32
      %broadcast_in_dim3A_56 = vector.broadcast %broadcast_in_dim3A : f32 to vector<64x128xf32>
      %swap3A_57 = arith.constant 0 : index
      %swap3A_58 = arith.constant 0 : index
      %swap3A_59 = vector.load %arg8[%swap3A_57, %swap3A_58] : memref<64x128xf32, #tpu.memory_space<vmem>>, vector<64x128xf32>
      tpu.vector_store %arg8[%swap3A_57, %swap3A_58], %broadcast_in_dim3A_56 {strides = array<i32>} : memref<64x128xf32, #tpu.memory_space<vmem>>, vector<64x128xf32>,
      %broadcast_in_dim3A_60 = arith.constant 0.000000e+00 : f32
      %broadcast_in_dim3A_61 = vector.broadcast %broadcast_in_dim3A_60 : f32 to vector<64x128xf32>
      %swap3A_62 = arith.constant 0 : index
      %swap3A_63 = arith.constant 0 : index
      %swap3A_64 = vector.load %arg9[%swap3A_62, %swap3A_63] : memref<64x128xf32, #tpu.memory_space<vmem>>, vector<64x128xf32>
      tpu.vector_store %arg9[%swap3A_62, %swap3A_63], %broadcast_in_dim3A_61 {strides = array<i32>} : memref<64x128xf32, #tpu.memory_space<vmem>>, vector<64x128xf32>,
      %broadcast_in_dim3A_65 = arith.constant 0.000000e+00 : f32
      %broadcast_in_dim3A_66 = vector.broadcast %broadcast_in_dim3A_65 : f32 to vector<64x128xf32>
      %swap3A_67 = arith.constant 0 : index
      %swap3A_68 = arith.constant 0 : index
      %swap3A_69 = vector.load %arg10[%swap3A_67, %swap3A_68] : memref<64x128xf32, #tpu.memory_space<vmem>>, vector<64x128xf32>
      tpu.vector_store %arg10[%swap3A_67, %swap3A_68], %broadcast_in_dim3A_66 {strides = array<i32>} : memref<64x128xf32, #tpu.memory_space<vmem>>, vector<64x128xf32>,
    } else {
    }
    %get3A_33 = arith.constant 0 : index
    %get3A_34 = arith.constant 0 : index
    %get3A_35 = vector.load %arg6[%get3A_33, %get3A_34] : memref<1000x1xf32, #tpu.memory_space<vmem>>, vector<1000x1xf32>
    %get3A_36 = arith.constant 0 : index
    %get3A_37 = arith.constant 0 : index
    %get3A_38 = vector.load %arg6[%get3A_36, %get3A_37] : memref<1000x1xf32, #tpu.memory_space<vmem>>, vector<1x1xf32>
    %get3A_39 = vector.extract %get3A_38[0, 0] : f32 from vector<1x1xf32>
    %convert_element_type3A_40 = arith.fptosi %get3A_39 : f32 to i32
    %get3A_41 = arith.constant 999 : index
    %get3A_42 = arith.constant 0 : index
    %get3A_43 = vector.load %arg6[%get3A_41, %get3A_42] : memref<1000x1xf32, #tpu.memory_space<vmem>>, vector<1x1xf32>
    %get3A_44 = vector.extract %get3A_43[0, 0] : f32 from vector<1x1xf32>
    %convert_element_type3A_45 = arith.fptosi %get3A_44 : f32 to i32
    %add3A_46 = arith.constant 1 : i32
    %add3A_47 = arith.addi %convert_element_type3A_45, %add3A_46 : i32
    %while3A = arith.constant 0 : i32
    %while3A_48 = arith.subi %add3A_47, %convert_element_type3A_40 : i32
    %while3A_49 = arith.addi %convert_element_type3A_40, %while3A_48 : i32
    %while3A_50 = arith.constant 1 : i32
    %while3A_51 = arith.divsi %while3A_48, %while3A_50 : i32
    %while3A_52 = arith.muli %while3A_51, %while3A_50 : i32
    %while3A_53 = arith.addi %convert_element_type3A_40, %while3A_52 : i32
    %while3A_54 = arith.constant 1 : i32
    scf.for %while3A_56 = %convert_element_type3A_40 to %while3A_53 step %while3A_54  : i32 {
      %convert_element_type3A_57 = arith.sitofp %while3A_56 : i32 to f32
      %eq3A_58 = vector.broadcast %convert_element_type3A_57 : f32 to vector<1000x1xf32>
      %eq3A_59 = arith.cmpf oeq, %get3A_35, %eq3A_58 : vector<1000x1xf32>
      %jit3A = arith.constant 0xFF800000 : f32
      %broadcast_in_dim3A = vector.shape_cast %eq3A_59 : vector<1000x1xi1> to vector<1000x1xi1>
      %broadcast_in_dim3A_60 = vector.broadcast %broadcast_in_dim3A : vector<1000x1xi1> to vector<1000x128xi1>
      %broadcast_in_dim3A_61 = vector.broadcast %jit3A : f32 to vector<1000x128xf32>
      %select_n3A = arith.select %broadcast_in_dim3A_60, %max3A_28, %broadcast_in_dim3A_61 : vector<1000x128xi1>, vector<1000x128xf32>
      %jit3A_62 = arith.constant 0.000000e+00 : f32
      %broadcast_in_dim3A_63 = vector.shape_cast %eq3A_59 : vector<1000x1xi1> to vector<1000x1xi1>
      %broadcast_in_dim3A_64 = vector.broadcast %broadcast_in_dim3A_63 : vector<1000x1xi1> to vector<1000x128xi1>
      %broadcast_in_dim3A_65 = vector.broadcast %jit3A_62 : f32 to vector<1000x128xf32>
      %select_n3A_66 = arith.select %broadcast_in_dim3A_64, %max3A_28, %broadcast_in_dim3A_65 : vector<1000x128xi1>, vector<1000x128xf32>
      %get3A_67 = arith.index_cast %while3A_56 : i32 to index
      %get3A_68 = arith.constant 0 : index
      %get3A_69 = vector.load %arg8[%get3A_67, %get3A_68] : memref<64x128xf32, #tpu.memory_space<vmem>>, vector<1x128xf32>
      %reduce_max3A = arith.constant dense<0xFF800000> : vector<128xf32>
      %reduce_max3A_70 = vector.multi_reduction <maximumf>, %select_n3A, %reduce_max3A [0] : vector<1000x128xf32> to vector<128xf32>
      %broadcast_in_dim3A_71 = vector.shape_cast %reduce_max3A_70 : vector<128xf32> to vector<1x128xf32>
      %max3A_72 = arith.maximumf %get3A_69, %broadcast_in_dim3A_71 : vector<1x128xf32>
      %swap3A_73 = arith.index_cast %while3A_56 : i32 to index
      %swap3A_74 = arith.constant 0 : index
      %swap3A_75 = vector.load %arg8[%swap3A_73, %swap3A_74] : memref<64x128xf32, #tpu.memory_space<vmem>>, vector<1x128xf32>
      tpu.vector_store %arg8[%swap3A_73, %swap3A_74], %max3A_72 {strides = array<i32>} : memref<64x128xf32, #tpu.memory_space<vmem>>, vector<1x128xf32>,
      %get3A_76 = arith.index_cast %while3A_56 : i32 to index
      %get3A_77 = arith.constant 0 : index
      %get3A_78 = vector.load %arg9[%get3A_76, %get3A_77] : memref<64x128xf32, #tpu.memory_space<vmem>>, vector<1x128xf32>
      %reduce_sum3A = arith.constant dense<0.000000e+00> : vector<128xf32>
      %reduce_sum3A_79 = vector.multi_reduction <add>, %select_n3A_66, %reduce_sum3A [0] : vector<1000x128xf32> to vector<128xf32>
      %broadcast_in_dim3A_80 = vector.shape_cast %reduce_sum3A_79 : vector<128xf32> to vector<1x128xf32>
      %add3A_81 = arith.addf %get3A_78, %broadcast_in_dim3A_80 : vector<1x128xf32>
      %swap3A_82 = arith.index_cast %while3A_56 : i32 to index
      %swap3A_83 = arith.constant 0 : index
      %swap3A_84 = vector.load %arg9[%swap3A_82, %swap3A_83] : memref<64x128xf32, #tpu.memory_space<vmem>>, vector<1x128xf32>
      tpu.vector_store %arg9[%swap3A_82, %swap3A_83], %add3A_81 {strides = array<i32>} : memref<64x128xf32, #tpu.memory_space<vmem>>, vector<1x128xf32>,
      %get3A_85 = arith.index_cast %while3A_56 : i32 to index
      %get3A_86 = arith.constant 0 : index
      %get3A_87 = vector.load %arg10[%get3A_85, %get3A_86] : memref<64x128xf32, #tpu.memory_space<vmem>>, vector<1x128xf32>
      %convert_element_type3A_88 = arith.extui %eq3A_59 : vector<1000x1xi1> to vector<1000x1xi32>
      %convert_element_type3A_89 = arith.sitofp %convert_element_type3A_88 : vector<1000x1xi32> to vector<1000x1xf32>
      %reduce_sum3A_90 = vector.shape_cast %convert_element_type3A_89 : vector<1000x1xf32> to vector<1x1000x1xf32>
      %reduce_sum3A_91 = arith.constant dense<0.000000e+00> : vector<1xf32>
      %reduce_sum3A_92 = vector.multi_reduction <add>, %reduce_sum3A_90, %reduce_sum3A_91 [1, 2] : vector<1x1000x1xf32> to vector<1xf32>
      %reduce_sum3A_93 = vector.shape_cast %reduce_sum3A_92 : vector<1xf32> to vector<1x1x1xf32>
      %reduce_sum3A_94 = vector.extract %reduce_sum3A_93[0, 0, 0] : f32 from vector<1x1x1xf32>
      %add3A_95 = vector.broadcast %reduce_sum3A_94 : f32 to vector<1x128xf32>
      %add3A_96 = arith.addf %get3A_87, %add3A_95 : vector<1x128xf32>
      %swap3A_97 = arith.index_cast %while3A_56 : i32 to index
      %swap3A_98 = arith.constant 0 : index
      %swap3A_99 = vector.load %arg10[%swap3A_97, %swap3A_98] : memref<64x128xf32, #tpu.memory_space<vmem>>, vector<1x128xf32>
      tpu.vector_store %arg10[%swap3A_97, %swap3A_98], %add3A_96 {strides = array<i32>} : memref<64x128xf32, #tpu.memory_space<vmem>>, vector<1x128xf32>,
    }
    %while3A_55 = arith.constant 1 : i32
    scf.for %while3A_56 = %while3A_53 to %while3A_49 step %while3A_55  : i32 {
      %convert_element_type3A_57 = arith.sitofp %while3A_56 : i32 to f32
      %eq3A_58 = vector.broadcast %convert_element_type3A_57 : f32 to vector<1000x1xf32>
      %eq3A_59 = arith.cmpf oeq, %get3A_35, %eq3A_58 : vector<1000x1xf32>
      %jit3A = arith.constant 0xFF800000 : f32
      %broadcast_in_dim3A = vector.shape_cast %eq3A_59 : vector<1000x1xi1> to vector<1000x1xi1>
      %broadcast_in_dim3A_60 = vector.broadcast %broadcast_in_dim3A : vector<1000x1xi1> to vector<1000x128xi1>
      %broadcast_in_dim3A_61 = vector.broadcast %jit3A : f32 to vector<1000x128xf32>
      %select_n3A = arith.select %broadcast_in_dim3A_60, %max3A_28, %broadcast_in_dim3A_61 : vector<1000x128xi1>, vector<1000x128xf32>
      %jit3A_62 = arith.constant 0.000000e+00 : f32
      %broadcast_in_dim3A_63 = vector.shape_cast %eq3A_59 : vector<1000x1xi1> to vector<1000x1xi1>
      %broadcast_in_dim3A_64 = vector.broadcast %broadcast_in_dim3A_63 : vector<1000x1xi1> to vector<1000x128xi1>
      %broadcast_in_dim3A_65 = vector.broadcast %jit3A_62 : f32 to vector<1000x128xf32>
      %select_n3A_66 = arith.select %broadcast_in_dim3A_64, %max3A_28, %broadcast_in_dim3A_65 : vector<1000x128xi1>, vector<1000x128xf32>
      %get3A_67 = arith.index_cast %while3A_56 : i32 to index
      %get3A_68 = arith.constant 0 : index
      %get3A_69 = vector.load %arg8[%get3A_67, %get3A_68] : memref<64x128xf32, #tpu.memory_space<vmem>>, vector<1x128xf32>
      %reduce_max3A = arith.constant dense<0xFF800000> : vector<128xf32>
      %reduce_max3A_70 = vector.multi_reduction <maximumf>, %select_n3A, %reduce_max3A [0] : vector<1000x128xf32> to vector<128xf32>
      %broadcast_in_dim3A_71 = vector.shape_cast %reduce_max3A_70 : vector<128xf32> to vector<1x128xf32>
      %max3A_72 = arith.maximumf %get3A_69, %broadcast_in_dim3A_71 : vector<1x128xf32>
      %swap3A_73 = arith.index_cast %while3A_56 : i32 to index
      %swap3A_74 = arith.constant 0 : index
      %swap3A_75 = vector.load %arg8[%swap3A_73, %swap3A_74] : memref<64x128xf32, #tpu.memory_space<vmem>>, vector<1x128xf32>
      tpu.vector_store %arg8[%swap3A_73, %swap3A_74], %max3A_72 {strides = array<i32>} : memref<64x128xf32, #tpu.memory_space<vmem>>, vector<1x128xf32>,
      %get3A_76 = arith.index_cast %while3A_56 : i32 to index
      %get3A_77 = arith.constant 0 : index
      %get3A_78 = vector.load %arg9[%get3A_76, %get3A_77] : memref<64x128xf32, #tpu.memory_space<vmem>>, vector<1x128xf32>
      %reduce_sum3A = arith.constant dense<0.000000e+00> : vector<128xf32>
      %reduce_sum3A_79 = vector.multi_reduction <add>, %select_n3A_66, %reduce_sum3A [0] : vector<1000x128xf32> to vector<128xf32>
      %broadcast_in_dim3A_80 = vector.shape_cast %reduce_sum3A_79 : vector<128xf32> to vector<1x128xf32>
      %add3A_81 = arith.addf %get3A_78, %broadcast_in_dim3A_80 : vector<1x128xf32>
      %swap3A_82 = arith.index_cast %while3A_56 : i32 to index
      %swap3A_83 = arith.constant 0 : index
      %swap3A_84 = vector.load %arg9[%swap3A_82, %swap3A_83] : memref<64x128xf32, #tpu.memory_space<vmem>>, vector<1x128xf32>
      tpu.vector_store %arg9[%swap3A_82, %swap3A_83], %add3A_81 {strides = array<i32>} : memref<64x128xf32, #tpu.memory_space<vmem>>, vector<1x128xf32>,
      %get3A_85 = arith.index_cast %while3A_56 : i32 to index
      %get3A_86 = arith.constant 0 : index
      %get3A_87 = vector.load %arg10[%get3A_85, %get3A_86] : memref<64x128xf32, #tpu.memory_space<vmem>>, vector<1x128xf32>
      %convert_element_type3A_88 = arith.extui %eq3A_59 : vector<1000x1xi1> to vector<1000x1xi32>
      %convert_element_type3A_89 = arith.sitofp %convert_element_type3A_88 : vector<1000x1xi32> to vector<1000x1xf32>
      %reduce_sum3A_90 = vector.shape_cast %convert_element_type3A_89 : vector<1000x1xf32> to vector<1x1000x1xf32>
      %reduce_sum3A_91 = arith.constant dense<0.000000e+00> : vector<1xf32>
      %reduce_sum3A_92 = vector.multi_reduction <add>, %reduce_sum3A_90, %reduce_sum3A_91 [1, 2] : vector<1x1000x1xf32> to vector<1xf32>
      %reduce_sum3A_93 = vector.shape_cast %reduce_sum3A_92 : vector<1xf32> to vector<1x1x1xf32>
      %reduce_sum3A_94 = vector.extract %reduce_sum3A_93[0, 0, 0] : f32 from vector<1x1x1xf32>
      %add3A_95 = vector.broadcast %reduce_sum3A_94 : f32 to vector<1x128xf32>
      %add3A_96 = arith.addf %get3A_87, %add3A_95 : vector<1x128xf32>
      %swap3A_97 = arith.index_cast %while3A_56 : i32 to index
      %swap3A_98 = arith.constant 0 : index
      %swap3A_99 = vector.load %arg10[%swap3A_97, %swap3A_98] : memref<64x128xf32, #tpu.memory_space<vmem>>, vector<1x128xf32>
      tpu.vector_store %arg10[%swap3A_97, %swap3A_98], %add3A_96 {strides = array<i32>} : memref<64x128xf32, #tpu.memory_space<vmem>>, vector<1x128xf32>,
    }
    return
  }
  func.func @transform_0(%arg0: i32) -> (i32, i32, i32) {
    %c0_i32 = arith.constant 0 : i32
    %c0_i32_0 = arith.constant 0 : i32
    %c0_i32_1 = arith.constant 0 : i32
    return %c0_i32, %arg0, %c0_i32_0 : i32, i32, i32
  }
  func.func @transform_1(%arg0: i32) -> (i32, i32) {
    %c0_i32 = arith.constant 0 : i32
    %c0_i32_0 = arith.constant 0 : i32
    return %arg0, %c0_i32 : i32, i32
  }
  func.func @transform_2(%arg0: i32) -> (i32, i32) {
    %c0_i32 = arith.constant 0 : i32
    %c0_i32_0 = arith.constant 0 : i32
    %c0_i32_1 = arith.constant 0 : i32
    return %c0_i32, %c0_i32_0 : i32, i32
  }
  func.func @transform_3(%arg0: i32) -> (i32, i32) {
    %c0_i32 = arith.constant 0 : i32
    %c0_i32_0 = arith.constant 0 : i32
    %c0_i32_1 = arith.constant 0 : i32
    return %c0_i32, %c0_i32_0 : i32, i32
  }
  func.func @transform_4(%arg0: i32) -> (i32, i32) {
    %c0_i32 = arith.constant 0 : i32
    %c0_i32_0 = arith.constant 0 : i32
    %c0_i32_1 = arith.constant 0 : i32
    return %c0_i32, %c0_i32_0 : i32, i32
  }
  func.func @transform_5(%arg0: i32) -> (i32, i32) {
    %c0_i32 = arith.constant 0 : i32
    %c0_i32_0 = arith.constant 0 : i32
    return %arg0, %c0_i32 : i32, i32
  }
  func.func @transform_6(%arg0: i32) -> (i32, i32) {
    %c0_i32 = arith.constant 0 : i32
    %c0_i32_0 = arith.constant 0 : i32
    return %arg0, %c0_i32 : i32, i32
  }
  func.func @transform_7(%arg0: i32) -> (i32, i32) {
    %c0_i32 = arith.constant 0 : i32
    %c0_i32_0 = arith.constant 0 : i32
    %c0_i32_1 = arith.constant 0 : i32
    return %c0_i32, %c0_i32_0 : i32, i32
  }
  func.func @transform_8(%arg0: i32) -> (i32, i32) {
    %c0_i32 = arith.constant 0 : i32
    %c0_i32_0 = arith.constant 0 : i32
    %c0_i32_1 = arith.constant 0 : i32
    return %c0_i32, %c0_i32_0 : i32, i32
  }
  func.func @transform_9(%arg0: i32) -> (i32, i32) {
    %c0_i32 = arith.constant 0 : i32
    %c0_i32_0 = arith.constant 0 : i32
    %c0_i32_1 = arith.constant 0 : i32
    return %c0_i32, %c0_i32_0 : i32, i32
  }
}

module attributes {stable_mosaic.version = 14 : i64} {
  func.func @body(%arg0: i32, %arg1: memref<2x1000x128xf32, #tpu.memory_space<vmem>>, %arg2: memref<1000x128xf32, #tpu.memory_space<vmem>>, %arg3: memref<128x128xf32, #tpu.memory_space<vmem>>, %arg4: memref<1x128xf32, #tpu.memory_space<vmem>>, %arg5: memref<128x128xf32, #tpu.memory_space<vmem>>, %arg6: memref<1000x1xf32, #tpu.memory_space<vmem>>, %arg7: memref<1000x128xf32, #tpu.memory_space<vmem>>, %arg8: memref<64x128xf32, #tpu.memory_space<vmem>>, %arg9: memref<64x128xf32, #tpu.memory_space<vmem>>, %arg10: memref<64x128xf32, #tpu.memory_space<vmem>>) attributes {dimension_semantics = [#tpu.dimension_semantics<arbitrary>], iteration_bounds = array<i64: 10>, scalar_prefetch = 0 : i64, scratch_operands = 0 : i64, tpu.core_type = #tpu.core_type<tc>, window_params = [{transform_indices = @transform_0, window_bounds = array<i64: 2, 1000, 128>}, {transform_indices = @transform_1, window_bounds = array<i64: 1000, 128>}, {pipeline_mode = #tpu.pipeline_mode<synchronous>, transform_indices = @transform_2, window_bounds = array<i64: 128, 128>}, {pipeline_mode = #tpu.pipeline_mode<synchronous>, transform_indices = @transform_3, window_bounds = array<i64: 1, 128>}, {pipeline_mode = #tpu.pipeline_mode<synchronous>, transform_indices = @transform_4, window_bounds = array<i64: 128, 128>}, {transform_indices = @transform_5, window_bounds = array<i64: 1000, 1>}, {transform_indices = @transform_6, window_bounds = array<i64: 1000, 128>}, {pipeline_mode = #tpu.pipeline_mode<synchronous>, transform_indices = @transform_7, window_bounds = array<i64: 64, 128>}, {pipeline_mode = #tpu.pipeline_mode<synchronous>, transform_indices = @transform_8, window_bounds = array<i64: 64, 128>}, {pipeline_mode = #tpu.pipeline_mode<synchronous>, transform_indices = @transform_9, window_bounds = array<i64: 64, 128>}]} {
    %get3A = arith.constant 0 : index
    %get3A_0 = arith.constant 0 : index
    %get3A_1 = arith.constant 0 : index
    %get3A_2 = vector.load %arg1[%get3A, %get3A_0, %get3A_1] : memref<2x1000x128xf32, #tpu.memory_space<vmem>>, vector<1x1000x128xf32>
    %get3A_3 = vector.shape_cast %get3A_2 : vector<1x1000x128xf32> to vector<1000x128xf32>
    %get3A_4 = arith.constant 1 : index
    %get3A_5 = arith.constant 0 : index
    %get3A_6 = arith.constant 0 : index
    %get3A_7 = vector.load %arg1[%get3A_4, %get3A_5, %get3A_6] : memref<2x1000x128xf32, #tpu.memory_space<vmem>>, vector<1x1000x128xf32>
    %get3A_8 = vector.shape_cast %get3A_7 : vector<1x1000x128xf32> to vector<1000x128xf32>
    %add3A = arith.addf %get3A_3, %get3A_8 : vector<1000x128xf32>
    %get3A_9 = arith.constant 0 : index
    %get3A_10 = arith.constant 0 : index
    %get3A_11 = vector.load %arg3[%get3A_9, %get3A_10] : memref<128x128xf32, #tpu.memory_space<vmem>>, vector<128x128xf32>
    %dot_general3A = arith.constant dense<0.000000e+00> : vector<1000x128xf32>
    %dot_general3A_12 = tpu.matmul %add3A, %get3A_11, %dot_general3A {dimension_numbers = #tpu.dot_dimension_numbers<[1], [1], [0], [0], [0, 0, 1, 0], [], []>, transpose_lhs_hint = false} : vector<1000x128xf32>, vector<128x128xf32>, vector<1000x128xf32> -> vector<1000x128xf32>
    %get3A_13 = arith.constant 0 : index
    %get3A_14 = arith.constant 0 : index
    %get3A_15 = vector.load %arg4[%get3A_13, %get3A_14] : memref<1x128xf32, #tpu.memory_space<vmem>>, vector<1x128xf32>
    %add3A_16 = vector.broadcast %get3A_15 : vector<1x128xf32> to vector<1000x128xf32>
    %add3A_17 = arith.addf %dot_general3A_12, %add3A_16 : vector<1000x128xf32>
    %get3A_18 = arith.constant 0 : index
    %get3A_19 = arith.constant 0 : index
    %get3A_20 = vector.load %arg2[%get3A_18, %get3A_19] : memref<1000x128xf32, #tpu.memory_space<vmem>>, vector<1000x128xf32>
    %get3A_21 = arith.constant 0 : index
    %get3A_22 = arith.constant 0 : index
    %get3A_23 = vector.load %arg5[%get3A_21, %get3A_22] : memref<128x128xf32, #tpu.memory_space<vmem>>, vector<128x128xf32>
    %dot_general3A_24 = arith.constant dense<0.000000e+00> : vector<1000x128xf32>
    %dot_general3A_25 = tpu.matmul %get3A_20, %get3A_23, %dot_general3A_24 {dimension_numbers = #tpu.dot_dimension_numbers<[1], [1], [0], [0], [0, 0, 1, 0], [], []>, transpose_lhs_hint = false} : vector<1000x128xf32>, vector<128x128xf32>, vector<1000x128xf32> -> vector<1000x128xf32>
    %add3A_26 = arith.addf %add3A_17, %dot_general3A_25 : vector<1000x128xf32>
    %max3A = arith.constant 0.000000e+00 : f32
    %max3A_27 = vector.broadcast %max3A : f32 to vector<1000x128xf32>
    %max3A_28 = arith.maximumf %add3A_26, %max3A_27 : vector<1000x128xf32>
    %swap3A = arith.constant 0 : index
    %swap3A_29 = arith.constant 0 : index
    %swap3A_30 = vector.load %arg7[%swap3A, %swap3A_29] : memref<1000x128xf32, #tpu.memory_space<vmem>>, vector<1000x128xf32>
    tpu.vector_store %arg7[%swap3A, %swap3A_29], %max3A_28 {strides = array<i32>} : memref<1000x128xf32, #tpu.memory_space<vmem>>, vector<1000x128xf32>,
    %eq3A = arith.constant 0 : i32
    %eq3A_31 = arith.cmpi eq, %arg0, %eq3A : i32
    %convert_element_type3A = arith.extui %eq3A_31 : i1 to i32
    %cond3A = arith.constant 0 : i32
    %cond3A_32 = arith.cmpi ne, %convert_element_type3A, %cond3A : i32
    scf.if %cond3A_32 {
      %broadcast_in_dim3A = arith.constant 0xFF800000 : f32
      %broadcast_in_dim3A_56 = vector.broadcast %broadcast_in_dim3A : f32 to vector<64x128xf32>
      %swap3A_57 = arith.constant 0 : index
      %swap3A_58 = arith.constant 0 : index
      %swap3A_59 = vector.load %arg8[%swap3A_57, %swap3A_58] : memref<64x128xf32, #tpu.memory_space<vmem>>, vector<64x128xf32>
      tpu.vector_store %arg8[%swap3A_57, %swap3A_58], %broadcast_in_dim3A_56 {strides = array<i32>} : memref<64x128xf32, #tpu.memory_space<vmem>>, vector<64x128xf32>,
      %broadcast_in_dim3A_60 = arith.constant 0.000000e+00 : f32
      %broadcast_in_dim3A_61 = vector.broadcast %broadcast_in_dim3A_60 : f32 to vector<64x128xf32>
      %swap3A_62 = arith.constant 0 : index
      %swap3A_63 = arith.constant 0 : index
      %swap3A_64 = vector.load %arg9[%swap3A_62, %swap3A_63] : memref<64x128xf32, #tpu.memory_space<vmem>>, vector<64x128xf32>
      tpu.vector_store %arg9[%swap3A_62, %swap3A_63], %broadcast_in_dim3A_61 {strides = array<i32>} : memref<64x128xf32, #tpu.memory_space<vmem>>, vector<64x128xf32>,
      %broadcast_in_dim3A_65 = arith.constant 0.000000e+00 : f32
      %broadcast_in_dim3A_66 = vector.broadcast %broadcast_in_dim3A_65 : f32 to vector<64x128xf32>
      %swap3A_67 = arith.constant 0 : index
      %swap3A_68 = arith.constant 0 : index
      %swap3A_69 = vector.load %arg10[%swap3A_67, %swap3A_68] : memref<64x128xf32, #tpu.memory_space<vmem>>, vector<64x128xf32>
      tpu.vector_store %arg10[%swap3A_67, %swap3A_68], %broadcast_in_dim3A_66 {strides = array<i32>} : memref<64x128xf32, #tpu.memory_space<vmem>>, vector<64x128xf32>,
    } else {
    }
    %get3A_33 = arith.constant 0 : index
    %get3A_34 = arith.constant 0 : index
    %get3A_35 = vector.load %arg6[%get3A_33, %get3A_34] : memref<1000x1xf32, #tpu.memory_space<vmem>>, vector<1000x1xf32>
    %get3A_36 = arith.constant 0 : index
    %get3A_37 = arith.constant 0 : index
    %get3A_38 = vector.load %arg6[%get3A_36, %get3A_37] : memref<1000x1xf32, #tpu.memory_space<vmem>>, vector<1x1xf32>
    %get3A_39 = vector.extract %get3A_38[0, 0] : f32 from vector<1x1xf32>
    %convert_element_type3A_40 = arith.fptosi %get3A_39 : f32 to i32
    %get3A_41 = arith.constant 999 : index
    %get3A_42 = arith.constant 0 : index
    %get3A_43 = vector.load %arg6[%get3A_41, %get3A_42] : memref<1000x1xf32, #tpu.memory_space<vmem>>, vector<1x1xf32>
    %get3A_44 = vector.extract %get3A_43[0, 0] : f32 from vector<1x1xf32>
    %convert_element_type3A_45 = arith.fptosi %get3A_44 : f32 to i32
    %add3A_46 = arith.constant 1 : i32
    %add3A_47 = arith.addi %convert_element_type3A_45, %add3A_46 : i32
    %while3A = arith.constant 0 : i32
    %while3A_48 = arith.subi %add3A_47, %convert_element_type3A_40 : i32
    %while3A_49 = arith.addi %convert_element_type3A_40, %while3A_48 : i32
    %while3A_50 = arith.constant 1 : i32
    %while3A_51 = arith.divsi %while3A_48, %while3A_50 : i32
    %while3A_52 = arith.muli %while3A_51, %while3A_50 : i32
    %while3A_53 = arith.addi %convert_element_type3A_40, %while3A_52 : i32
    %while3A_54 = arith.constant 1 : i32
    scf.for %while3A_56 = %convert_element_type3A_40 to %while3A_53 step %while3A_54  : i32 {
      %convert_element_type3A_57 = arith.sitofp %while3A_56 : i32 to f32
      %eq3A_58 = vector.broadcast %convert_element_type3A_57 : f32 to vector<1000x1xf32>
      %eq3A_59 = arith.cmpf oeq, %get3A_35, %eq3A_58 : vector<1000x1xf32>
      %jit3A = arith.constant 0xFF800000 : f32
      %broadcast_in_dim3A = vector.shape_cast %eq3A_59 : vector<1000x1xi1> to vector<1000x1xi1>
      %broadcast_in_dim3A_60 = vector.broadcast %broadcast_in_dim3A : vector<1000x1xi1> to vector<1000x128xi1>
      %broadcast_in_dim3A_61 = vector.broadcast %jit3A : f32 to vector<1000x128xf32>
      %select_n3A = arith.select %broadcast_in_dim3A_60, %max3A_28, %broadcast_in_dim3A_61 : vector<1000x128xi1>, vector<1000x128xf32>
      %jit3A_62 = arith.constant 0.000000e+00 : f32
      %broadcast_in_dim3A_63 = vector.shape_cast %eq3A_59 : vector<1000x1xi1> to vector<1000x1xi1>
      %broadcast_in_dim3A_64 = vector.broadcast %broadcast_in_dim3A_63 : vector<1000x1xi1> to vector<1000x128xi1>
      %broadcast_in_dim3A_65 = vector.broadcast %jit3A_62 : f32 to vector<1000x128xf32>
      %select_n3A_66 = arith.select %broadcast_in_dim3A_64, %max3A_28, %broadcast_in_dim3A_65 : vector<1000x128xi1>, vector<1000x128xf32>
      %get3A_67 = arith.index_cast %while3A_56 : i32 to index
      %get3A_68 = arith.constant 0 : index
      %get3A_69 = vector.load %arg8[%get3A_67, %get3A_68] : memref<64x128xf32, #tpu.memory_space<vmem>>, vector<1x128xf32>
      %reduce_max3A = arith.constant dense<0xFF800000> : vector<128xf32>
      %reduce_max3A_70 = vector.multi_reduction <maximumf>, %select_n3A, %reduce_max3A [0] : vector<1000x128xf32> to vector<128xf32>
      %broadcast_in_dim3A_71 = vector.shape_cast %reduce_max3A_70 : vector<128xf32> to vector<1x128xf32>
      %max3A_72 = arith.maximumf %get3A_69, %broadcast_in_dim3A_71 : vector<1x128xf32>
      %swap3A_73 = arith.index_cast %while3A_56 : i32 to index
      %swap3A_74 = arith.constant 0 : index
      %swap3A_75 = vector.load %arg8[%swap3A_73, %swap3A_74] : memref<64x128xf32, #tpu.memory_space<vmem>>, vector<1x128xf32>
      tpu.vector_store %arg8[%swap3A_73, %swap3A_74], %max3A_72 {strides = array<i32>} : memref<64x128xf32, #tpu.memory_space<vmem>>, vector<1x128xf32>,
      %get3A_76 = arith.index_cast %while3A_56 : i32 to index
      %get3A_77 = arith.constant 0 : index
      %get3A_78 = vector.load %arg9[%get3A_76, %get3A_77] : memref<64x128xf32, #tpu.memory_space<vmem>>, vector<1x128xf32>
      %reduce_sum3A = arith.constant dense<0.000000e+00> : vector<128xf32>
      %reduce_sum3A_79 = vector.multi_reduction <add>, %select_n3A_66, %reduce_sum3A [0] : vector<1000x128xf32> to vector<128xf32>
      %broadcast_in_dim3A_80 = vector.shape_cast %reduce_sum3A_79 : vector<128xf32> to vector<1x128xf32>
      %add3A_81 = arith.addf %get3A_78, %broadcast_in_dim3A_80 : vector<1x128xf32>
      %swap3A_82 = arith.index_cast %while3A_56 : i32 to index
      %swap3A_83 = arith.constant 0 : index
      %swap3A_84 = vector.load %arg9[%swap3A_82, %swap3A_83] : memref<64x128xf32, #tpu.memory_space<vmem>>, vector<1x128xf32>
      tpu.vector_store %arg9[%swap3A_82, %swap3A_83], %add3A_81 {strides = array<i32>} : memref<64x128xf32, #tpu.memory_space<vmem>>, vector<1x128xf32>,
      %get3A_85 = arith.index_cast %while3A_56 : i32 to index
      %get3A_86 = arith.constant 0 : index
      %get3A_87 = vector.load %arg10[%get3A_85, %get3A_86] : memref<64x128xf32, #tpu.memory_space<vmem>>, vector<1x128xf32>
      %convert_element_type3A_88 = arith.extui %eq3A_59 : vector<1000x1xi1> to vector<1000x1xi32>
      %convert_element_type3A_89 = arith.sitofp %convert_element_type3A_88 : vector<1000x1xi32> to vector<1000x1xf32>
      %reduce_sum3A_90 = vector.shape_cast %convert_element_type3A_89 : vector<1000x1xf32> to vector<1x1000x1xf32>
      %reduce_sum3A_91 = arith.constant dense<0.000000e+00> : vector<1xf32>
      %reduce_sum3A_92 = vector.multi_reduction <add>, %reduce_sum3A_90, %reduce_sum3A_91 [1, 2] : vector<1x1000x1xf32> to vector<1xf32>
      %reduce_sum3A_93 = vector.shape_cast %reduce_sum3A_92 : vector<1xf32> to vector<1x1x1xf32>
      %reduce_sum3A_94 = vector.extract %reduce_sum3A_93[0, 0, 0] : f32 from vector<1x1x1xf32>
      %add3A_95 = vector.broadcast %reduce_sum3A_94 : f32 to vector<1x128xf32>
      %add3A_96 = arith.addf %get3A_87, %add3A_95 : vector<1x128xf32>
      %swap3A_97 = arith.index_cast %while3A_56 : i32 to index
      %swap3A_98 = arith.constant 0 : index
      %swap3A_99 = vector.load %arg10[%swap3A_97, %swap3A_98] : memref<64x128xf32, #tpu.memory_space<vmem>>, vector<1x128xf32>
      tpu.vector_store %arg10[%swap3A_97, %swap3A_98], %add3A_96 {strides = array<i32>} : memref<64x128xf32, #tpu.memory_space<vmem>>, vector<1x128xf32>,
    }
    %while3A_55 = arith.constant 1 : i32
    scf.for %while3A_56 = %while3A_53 to %while3A_49 step %while3A_55  : i32 {
      %convert_element_type3A_57 = arith.sitofp %while3A_56 : i32 to f32
      %eq3A_58 = vector.broadcast %convert_element_type3A_57 : f32 to vector<1000x1xf32>
      %eq3A_59 = arith.cmpf oeq, %get3A_35, %eq3A_58 : vector<1000x1xf32>
      %jit3A = arith.constant 0xFF800000 : f32
      %broadcast_in_dim3A = vector.shape_cast %eq3A_59 : vector<1000x1xi1> to vector<1000x1xi1>
      %broadcast_in_dim3A_60 = vector.broadcast %broadcast_in_dim3A : vector<1000x1xi1> to vector<1000x128xi1>
      %broadcast_in_dim3A_61 = vector.broadcast %jit3A : f32 to vector<1000x128xf32>
      %select_n3A = arith.select %broadcast_in_dim3A_60, %max3A_28, %broadcast_in_dim3A_61 : vector<1000x128xi1>, vector<1000x128xf32>
      %jit3A_62 = arith.constant 0.000000e+00 : f32
      %broadcast_in_dim3A_63 = vector.shape_cast %eq3A_59 : vector<1000x1xi1> to vector<1000x1xi1>
      %broadcast_in_dim3A_64 = vector.broadcast %broadcast_in_dim3A_63 : vector<1000x1xi1> to vector<1000x128xi1>
      %broadcast_in_dim3A_65 = vector.broadcast %jit3A_62 : f32 to vector<1000x128xf32>
      %select_n3A_66 = arith.select %broadcast_in_dim3A_64, %max3A_28, %broadcast_in_dim3A_65 : vector<1000x128xi1>, vector<1000x128xf32>
      %get3A_67 = arith.index_cast %while3A_56 : i32 to index
      %get3A_68 = arith.constant 0 : index
      %get3A_69 = vector.load %arg8[%get3A_67, %get3A_68] : memref<64x128xf32, #tpu.memory_space<vmem>>, vector<1x128xf32>
      %reduce_max3A = arith.constant dense<0xFF800000> : vector<128xf32>
      %reduce_max3A_70 = vector.multi_reduction <maximumf>, %select_n3A, %reduce_max3A [0] : vector<1000x128xf32> to vector<128xf32>
      %broadcast_in_dim3A_71 = vector.shape_cast %reduce_max3A_70 : vector<128xf32> to vector<1x128xf32>
      %max3A_72 = arith.maximumf %get3A_69, %broadcast_in_dim3A_71 : vector<1x128xf32>
      %swap3A_73 = arith.index_cast %while3A_56 : i32 to index
      %swap3A_74 = arith.constant 0 : index
      %swap3A_75 = vector.load %arg8[%swap3A_73, %swap3A_74] : memref<64x128xf32, #tpu.memory_space<vmem>>, vector<1x128xf32>
      tpu.vector_store %arg8[%swap3A_73, %swap3A_74], %max3A_72 {strides = array<i32>} : memref<64x128xf32, #tpu.memory_space<vmem>>, vector<1x128xf32>,
      %get3A_76 = arith.index_cast %while3A_56 : i32 to index
      %get3A_77 = arith.constant 0 : index
      %get3A_78 = vector.load %arg9[%get3A_76, %get3A_77] : memref<64x128xf32, #tpu.memory_space<vmem>>, vector<1x128xf32>
      %reduce_sum3A = arith.constant dense<0.000000e+00> : vector<128xf32>
      %reduce_sum3A_79 = vector.multi_reduction <add>, %select_n3A_66, %reduce_sum3A [0] : vector<1000x128xf32> to vector<128xf32>
      %broadcast_in_dim3A_80 = vector.shape_cast %reduce_sum3A_79 : vector<128xf32> to vector<1x128xf32>
      %add3A_81 = arith.addf %get3A_78, %broadcast_in_dim3A_80 : vector<1x128xf32>
      %swap3A_82 = arith.index_cast %while3A_56 : i32 to index
      %swap3A_83 = arith.constant 0 : index
      %swap3A_84 = vector.load %arg9[%swap3A_82, %swap3A_83] : memref<64x128xf32, #tpu.memory_space<vmem>>, vector<1x128xf32>
      tpu.vector_store %arg9[%swap3A_82, %swap3A_83], %add3A_81 {strides = array<i32>} : memref<64x128xf32, #tpu.memory_space<vmem>>, vector<1x128xf32>,
      %get3A_85 = arith.index_cast %while3A_56 : i32 to index
      %get3A_86 = arith.constant 0 : index
      %get3A_87 = vector.load %arg10[%get3A_85, %get3A_86] : memref<64x128xf32, #tpu.memory_space<vmem>>, vector<1x128xf32>
      %convert_element_type3A_88 = arith.extui %eq3A_59 : vector<1000x1xi1> to vector<1000x1xi32>
      %convert_element_type3A_89 = arith.sitofp %convert_element_type3A_88 : vector<1000x1xi32> to vector<1000x1xf32>
      %reduce_sum3A_90 = vector.shape_cast %convert_element_type3A_89 : vector<1000x1xf32> to vector<1x1000x1xf32>
      %reduce_sum3A_91 = arith.constant dense<0.000000e+00> : vector<1xf32>
      %reduce_sum3A_92 = vector.multi_reduction <add>, %reduce_sum3A_90, %reduce_sum3A_91 [1, 2] : vector<1x1000x1xf32> to vector<1xf32>
      %reduce_sum3A_93 = vector.shape_cast %reduce_sum3A_92 : vector<1xf32> to vector<1x1x1xf32>
      %reduce_sum3A_94 = vector.extract %reduce_sum3A_93[0, 0, 0] : f32 from vector<1x1x1xf32>
      %add3A_95 = vector.broadcast %reduce_sum3A_94 : f32 to vector<1x128xf32>
      %add3A_96 = arith.addf %get3A_87, %add3A_95 : vector<1x128xf32>
      %swap3A_97 = arith.index_cast %while3A_56 : i32 to index
      %swap3A_98 = arith.constant 0 : index
      %swap3A_99 = vector.load %arg10[%swap3A_97, %swap3A_98] : memref<64x128xf32, #tpu.memory_space<vmem>>, vector<1x128xf32>
      tpu.vector_store %arg10[%swap3A_97, %swap3A_98], %add3A_96 {strides = array<i32>} : memref<64x128xf32, #tpu.memory_space<vmem>>, vector<1x128xf32>,
    }
    return
  }
  func.func @transform_0(%arg0: i32) -> (i32, i32, i32) {
    %c0_i32 = arith.constant 0 : i32
    %c0_i32_0 = arith.constant 0 : i32
    %c0_i32_1 = arith.constant 0 : i32
    return %c0_i32, %arg0, %c0_i32_0 : i32, i32, i32
  }
  func.func @transform_1(%arg0: i32) -> (i32, i32) {
    %c0_i32 = arith.constant 0 : i32
    %c0_i32_0 = arith.constant 0 : i32
    return %arg0, %c0_i32 : i32, i32
  }
  func.func @transform_2(%arg0: i32) -> (i32, i32) {
    %c0_i32 = arith.constant 0 : i32
    %c0_i32_0 = arith.constant 0 : i32
    %c0_i32_1 = arith.constant 0 : i32
    return %c0_i32, %c0_i32_0 : i32, i32
  }
  func.func @transform_3(%arg0: i32) -> (i32, i32) {
    %c0_i32 = arith.constant 0 : i32
    %c0_i32_0 = arith.constant 0 : i32
    %c0_i32_1 = arith.constant 0 : i32
    return %c0_i32, %c0_i32_0 : i32, i32
  }
  func.func @transform_4(%arg0: i32) -> (i32, i32) {
    %c0_i32 = arith.constant 0 : i32
    %c0_i32_0 = arith.constant 0 : i32
    %c0_i32_1 = arith.constant 0 : i32
    return %c0_i32, %c0_i32_0 : i32, i32
  }
  func.func @transform_5(%arg0: i32) -> (i32, i32) {
    %c0_i32 = arith.constant 0 : i32
    %c0_i32_0 = arith.constant 0 : i32
    return %arg0, %c0_i32 : i32, i32
  }
  func.func @transform_6(%arg0: i32) -> (i32, i32) {
    %c0_i32 = arith.constant 0 : i32
    %c0_i32_0 = arith.constant 0 : i32
    return %arg0, %c0_i32 : i32, i32
  }
  func.func @transform_7(%arg0: i32) -> (i32, i32) {
    %c0_i32 = arith.constant 0 : i32
    %c0_i32_0 = arith.constant 0 : i32
    %c0_i32_1 = arith.constant 0 : i32
    return %c0_i32, %c0_i32_0 : i32, i32
  }
  func.func @transform_8(%arg0: i32) -> (i32, i32) {
    %c0_i32 = arith.constant 0 : i32
    %c0_i32_0 = arith.constant 0 : i32
    %c0_i32_1 = arith.constant 0 : i32
    return %c0_i32, %c0_i32_0 : i32, i32
  }
  func.func @transform_9(%arg0: i32) -> (i32, i32) {
    %c0_i32 = arith.constant 0 : i32
    %c0_i32_0 = arith.constant 0 : i32
    %c0_i32_1 = arith.constant 0 : i32
    return %c0_i32, %c0_i32_0 : i32, i32
  }
}

module attributes {stable_mosaic.version = 14 : i64} {
  func.func @body(%arg0: memref<64x128xf32, #tpu.memory_space<vmem>>, %arg1: memref<64x128xf32, #tpu.memory_space<vmem>>, %arg2: memref<64x128xf32, #tpu.memory_space<vmem>>, %arg3: memref<64x128xf32, #tpu.memory_space<vmem>>, %arg4: memref<64x128xf32, #tpu.memory_space<vmem>>, %arg5: memref<64x128xf32, #tpu.memory_space<vmem>>, %arg6: memref<64x128xf32, #tpu.memory_space<vmem>>, %arg7: memref<64x128xf32, #tpu.memory_space<vmem>>, %arg8: memref<64x128xf32, #tpu.memory_space<vmem>>, %arg9: memref<128x256xf32, #tpu.memory_space<vmem>>, %arg10: memref<1x128xf32, #tpu.memory_space<vmem>>, %arg11: memref<64x128xf32, #tpu.memory_space<vmem>>, %arg12: memref<1x64xf32, #tpu.memory_space<vmem>>, %arg13: memref<1x64xf32, #tpu.memory_space<vmem>>, %arg14: memref<1x1xf32, #tpu.memory_space<vmem>>, %arg15: memref<64x1xf32, #tpu.memory_space<vmem>>, %arg16: memref<64x256xf32, #tpu.memory_space<vmem>>) attributes {dimension_semantics = [], scalar_prefetch = 0 : i64, scratch_operands = 0 : i64, tpu.core_type = #tpu.core_type<tc>} {
    %get3A = arith.constant 0 : index
    %get3A_0 = arith.constant 0 : index
    %get3A_1 = vector.load %arg2[%get3A, %get3A_0] : memref<64x128xf32, #tpu.memory_space<vmem>>, vector<64x128xf32>
    %max3A = arith.constant 1.000000e+00 : f32
    %max3A_2 = vector.broadcast %max3A : f32 to vector<64x128xf32>
    %max3A_3 = arith.maximumf %get3A_1, %max3A_2 : vector<64x128xf32>
    %get3A_4 = arith.constant 0 : index
    %get3A_5 = arith.constant 0 : index
    %get3A_6 = vector.load %arg0[%get3A_4, %get3A_5] : memref<64x128xf32, #tpu.memory_space<vmem>>, vector<64x128xf32>
    %get3A_7 = arith.constant 0 : index
    %get3A_8 = arith.constant 0 : index
    %get3A_9 = vector.load %arg1[%get3A_7, %get3A_8] : memref<64x128xf32, #tpu.memory_space<vmem>>, vector<64x128xf32>
    %div3A = arith.divf %get3A_9, %max3A_3 : vector<64x128xf32>
    %concatenate3A = tpu.concatenate %get3A_6, %div3A in 1 : vector<64x128xf32>, vector<64x128xf32> -> vector<64x256xf32>
    %get3A_10 = arith.constant 0 : index
    %get3A_11 = arith.constant 0 : index
    %get3A_12 = vector.load %arg5[%get3A_10, %get3A_11] : memref<64x128xf32, #tpu.memory_space<vmem>>, vector<64x128xf32>
    %max3A_13 = arith.constant 1.000000e+00 : f32
    %max3A_14 = vector.broadcast %max3A_13 : f32 to vector<64x128xf32>
    %max3A_15 = arith.maximumf %get3A_12, %max3A_14 : vector<64x128xf32>
    %get3A_16 = arith.constant 0 : index
    %get3A_17 = arith.constant 0 : index
    %get3A_18 = vector.load %arg3[%get3A_16, %get3A_17] : memref<64x128xf32, #tpu.memory_space<vmem>>, vector<64x128xf32>
    %get3A_19 = arith.constant 0 : index
    %get3A_20 = arith.constant 0 : index
    %get3A_21 = vector.load %arg4[%get3A_19, %get3A_20] : memref<64x128xf32, #tpu.memory_space<vmem>>, vector<64x128xf32>
    %div3A_22 = arith.divf %get3A_21, %max3A_15 : vector<64x128xf32>
    %concatenate3A_23 = tpu.concatenate %get3A_18, %div3A_22 in 1 : vector<64x128xf32>, vector<64x128xf32> -> vector<64x256xf32>
    %add3A = arith.addf %concatenate3A, %concatenate3A_23 : vector<64x256xf32>
    %get3A_24 = arith.constant 0 : index
    %get3A_25 = arith.constant 0 : index
    %get3A_26 = vector.load %arg8[%get3A_24, %get3A_25] : memref<64x128xf32, #tpu.memory_space<vmem>>, vector<64x128xf32>
    %max3A_27 = arith.constant 1.000000e+00 : f32
    %max3A_28 = vector.broadcast %max3A_27 : f32 to vector<64x128xf32>
    %max3A_29 = arith.maximumf %get3A_26, %max3A_28 : vector<64x128xf32>
    %get3A_30 = arith.constant 0 : index
    %get3A_31 = arith.constant 0 : index
    %get3A_32 = vector.load %arg6[%get3A_30, %get3A_31] : memref<64x128xf32, #tpu.memory_space<vmem>>, vector<64x128xf32>
    %get3A_33 = arith.constant 0 : index
    %get3A_34 = arith.constant 0 : index
    %get3A_35 = vector.load %arg7[%get3A_33, %get3A_34] : memref<64x128xf32, #tpu.memory_space<vmem>>, vector<64x128xf32>
    %div3A_36 = arith.divf %get3A_35, %max3A_29 : vector<64x128xf32>
    %concatenate3A_37 = tpu.concatenate %get3A_32, %div3A_36 in 1 : vector<64x128xf32>, vector<64x128xf32> -> vector<64x256xf32>
    %add3A_38 = arith.addf %add3A, %concatenate3A_37 : vector<64x256xf32>
    %swap3A = arith.constant 0 : index
    %swap3A_39 = arith.constant 0 : index
    %swap3A_40 = vector.load %arg16[%swap3A, %swap3A_39] : memref<64x256xf32, #tpu.memory_space<vmem>>, vector<64x256xf32>
    tpu.vector_store %arg16[%swap3A, %swap3A_39], %add3A_38 {strides = array<i32>} : memref<64x256xf32, #tpu.memory_space<vmem>>, vector<64x256xf32>,
    %get3A_41 = arith.constant 0 : index
    %get3A_42 = arith.constant 0 : index
    %get3A_43 = vector.load %arg9[%get3A_41, %get3A_42] : memref<128x256xf32, #tpu.memory_space<vmem>>, vector<128x256xf32>
    %dot_general3A = arith.constant dense<0.000000e+00> : vector<64x128xf32>
    %dot_general3A_44 = tpu.matmul %add3A_38, %get3A_43, %dot_general3A {dimension_numbers = #tpu.dot_dimension_numbers<[1], [1], [0], [0], [0, 0, 1, 0], [], []>, transpose_lhs_hint = false} : vector<64x256xf32>, vector<128x256xf32>, vector<64x128xf32> -> vector<64x128xf32>
    %get3A_45 = arith.constant 0 : index
    %get3A_46 = arith.constant 0 : index
    %get3A_47 = vector.load %arg10[%get3A_45, %get3A_46] : memref<1x128xf32, #tpu.memory_space<vmem>>, vector<1x128xf32>
    %add3A_48 = vector.broadcast %get3A_47 : vector<1x128xf32> to vector<64x128xf32>
    %add3A_49 = arith.addf %dot_general3A_44, %add3A_48 : vector<64x128xf32>
    %max3A_50 = arith.constant 0.000000e+00 : f32
    %max3A_51 = vector.broadcast %max3A_50 : f32 to vector<64x128xf32>
    %max3A_52 = arith.maximumf %add3A_49, %max3A_51 : vector<64x128xf32>
    %get3A_53 = arith.constant 0 : index
    %get3A_54 = arith.constant 0 : index
    %get3A_55 = vector.load %arg11[%get3A_53, %get3A_54] : memref<64x128xf32, #tpu.memory_space<vmem>>, vector<64x128xf32>
    %dot_general3A_56 = arith.constant dense<0.000000e+00> : vector<64x64xf32>
    %dot_general3A_57 = tpu.matmul %max3A_52, %get3A_55, %dot_general3A_56 {dimension_numbers = #tpu.dot_dimension_numbers<[1], [1], [0], [0], [0, 0, 1, 0], [], []>, transpose_lhs_hint = false} : vector<64x128xf32>, vector<64x128xf32>, vector<64x64xf32> -> vector<64x64xf32>
    %get3A_58 = arith.constant 0 : index
    %get3A_59 = arith.constant 0 : index
    %get3A_60 = vector.load %arg12[%get3A_58, %get3A_59] : memref<1x64xf32, #tpu.memory_space<vmem>>, vector<1x64xf32>
    %add3A_61 = vector.broadcast %get3A_60 : vector<1x64xf32> to vector<64x64xf32>
    %add3A_62 = arith.addf %dot_general3A_57, %add3A_61 : vector<64x64xf32>
    %max3A_63 = arith.constant 0.000000e+00 : f32
    %max3A_64 = vector.broadcast %max3A_63 : f32 to vector<64x64xf32>
    %max3A_65 = arith.maximumf %add3A_62, %max3A_64 : vector<64x64xf32>
    %get3A_66 = arith.constant 0 : index
    %get3A_67 = arith.constant 0 : index
    %get3A_68 = vector.load %arg13[%get3A_66, %get3A_67] : memref<1x64xf32, #tpu.memory_space<vmem>>, vector<1x64xf32>
    %mul3A = vector.broadcast %get3A_68 : vector<1x64xf32> to vector<64x64xf32>
    %mul3A_69 = arith.mulf %max3A_65, %mul3A : vector<64x64xf32>
    %reduce_sum3A = arith.constant dense<0.000000e+00> : vector<64xf32>
    %reduce_sum3A_70 = vector.multi_reduction <add>, %mul3A_69, %reduce_sum3A [1] : vector<64x64xf32> to vector<64xf32>
    %broadcast_in_dim3A = vector.shape_cast %reduce_sum3A_70 : vector<64xf32> to vector<64x1xf32>
    %get3A_71 = arith.constant 0 : index
    %get3A_72 = arith.constant 0 : index
    %get3A_73 = vector.load %arg14[%get3A_71, %get3A_72] : memref<1x1xf32, #tpu.memory_space<vmem>>, vector<1x1xf32>
    %get3A_74 = vector.extract %get3A_73[0, 0] : f32 from vector<1x1xf32>
    %add3A_75 = vector.broadcast %get3A_74 : f32 to vector<64x1xf32>
    %add3A_76 = arith.addf %broadcast_in_dim3A, %add3A_75 : vector<64x1xf32>
    %swap3A_77 = arith.constant 0 : index
    %swap3A_78 = arith.constant 0 : index
    %swap3A_79 = vector.load %arg15[%swap3A_77, %swap3A_78] : memref<64x1xf32, #tpu.memory_space<vmem>>, vector<64x1xf32>
    tpu.vector_store %arg15[%swap3A_77, %swap3A_78], %add3A_76 {strides = array<i32>} : memref<64x1xf32, #tpu.memory_space<vmem>>, vector<64x1xf32>,
    return
  }
}

</mosaic_0001>

<sc_bundles>
// kernel: kernel.12.cloned.1.call-start
scs
__scs_entry_jumppad:
0x0: {  	(pc) =	sbr.rel $0x88, $3  }
0x1: {  	(tag) =	ssettag $0x0;
	lr =	simm.s32 $0x1  }
0x2: {  	[smem:$0x3F8F] =	sst lr;
	_ =	strace $0xD0000000  }
0x3: {  	_ = 	snop  }
0x4: {  	_ = 	snop  }
0x5: {  	_ = 	snop  }
0x6: {  	_ = 	snop  }
0x7: {  	_ = 	snop  }
__scs_overlays_trampoline_lowered:
0x8: {  	[smem:$0x3F9E] =	sst s0  }
0x9: {  	[smem:$0x3F9F] =	sst s1  }
0xa: {  	[smem:$0x3FA0] =	sst s2  }
0xb: {  	[smem:$0x3FA1] =	sst s3  }
0xc: {  	[smem:$0x3FA2] =	sst s4  }
0xd: {  	[smem:$0x3FA3] =	sst s5  }
0xe: {  	[smem:$0x3FA4] =	sst s6  }
0xf: {  	[smem:$0x3FA5] =	sst s7  }
0x10: {  	[smem:$0x3FA6] =	sst s8  }
0x11: {  	[smem:$0x3FA7] =	sst s9;
	s0 =	simm.s32 @!p0 $0x0  }
0x12: {  	s1 =	sld [smem:$0x3F8D];
	s0 =	simm.s32 @p0 $0x1  }
0x13: {  	[smem:$0x3FA8] =	sst s0;
	s0 =	simm.s32 @!p1 $0x0  }
0x14: {  	s2 =	sld [smem:$0x3F8C];
	s0 =	simm.s32 @p1 $0x1  }
0x15: {  	[smem:$0x3FA9] =	sst s0;
	s0 =	simm.s32 @!p2 $0x0  }
0x16: {  	s3 =	sld [smem:$0x3FDB];
	s0 =	simm.s32 @p2 $0x1  }
0x17: {  	s4 =	simm.s32 $0x1BF5;
	[smem:$0x3FAB] =	sst s0  }
0x18: {  	s0 =	sld [smem:$0x3F8E];
	_ =	swait.ge [sflag:s4], $0x0  }
0x19: {  	s7 =	sld [smem:$0x3F8F]  }
0x1a: {  	s8 =	sadd.s32 $0xFFFFE003, lr  }
0x1b: {  	s9 =	sadd.s32 $0xFFFFFEF7, lr;
	s5 =	simm.s32 $0xFFFFFFFF;
	p2 =	slt.u32 s8, $0xFFFFF086  }
0x1c: {  	p1 =	slt.u32 s9, $0xF7A;
	s5 =	simm.s32 @!p2 $0x0  }
0x1d: {  	s5 =	simm.s32 @p1 $0x1;
	p0 =	seq.s32 s7, s2  }
0x1e: {  	s7 =	smul.u32 @!p0 $0xF7A, s2;
	p2 =	seq.s32 @!p0 s5, $0x0  }
0x1f: {  	s9 =	smul.u32 $0xF7A, s1;
	s8 =	simm.s32 @!p0 $0x1BF5;
	p2 =	por !p2, p0  }
0x20: {  	[sflag:s8] =	ssyncset.s32 @!p0 $0xFFFFF086;
	s6 =	sadd.s32 @!p0 s3, s7;
	s7 =	simm.s32 @!p0 $0x108  }
0x21: {  	s3 =	sadd.s32 s3, s9;
	s6 =	sadd.s32 @!p0 $0x88, s6;
	s7 =	simm.s32 @p2 $0x1082  }
0x22: {  	[simem:s7], [sflag:s8] =	dma.local @!p0 [hbm:s6], $0xF7A  }
0x23: {  	s9 =	sor.u32 $0xD0000000, s2;
	s6 =	simm.s32 $0x108;
	_ =	swait.ge @!p0 [sflag:s8], $0x0  }
0x24: {  	s3 =	sadd.s32 $0x88, s3;
	s6 =	simm.s32 @!p1 $0x1082;
	[sflag:s4] =	ssyncset.s32 $0xFFFFF086  }
0x25: {  	[simem:s6], [sflag:s4] =	dma.local [hbm:s3], $0xF7A  }
0x26: {  	[smem:$0x3F8F] =	sst s1;
	(tag) =	ssettag s2;
	_ =	strace s9  }
0x27: {  	s1 =	sld [smem:$0x3F9F]  }
0x28: {  	s2 =	sld [smem:$0x3FA0]  }
0x29: {  	s4 =	sld [smem:$0x3FA2]  }
0x2a: {  	p0 =	seq.s32 s5, $0x0;
	s5 =	sld [smem:$0x3FA3]  }
0x2b: {  	s6 =	sld [smem:$0x3FA4]  }
0x2c: {  	s7 =	sld [smem:$0x3FA5]  }
0x2d: {  	s3 =	simm.s32 $0x108;
	s8 =	sld [smem:$0x3FA6]  }
0x2e: {  	s3 =	simm.s32 @!p0 $0x1082;
	s9 =	sld [smem:$0x3FA7]  }
0x2f: {  	lr =	sadd.s32 s0, s3;
	s0 =	sld [smem:$0x3F9E]  }
0x30: {  	s3 =	sld [smem:$0x3FA1]  }
0x31: {  	[smem:$0x3FAA] =	sst s10  }
0x32: {  	s10 =	sld [smem:$0x3FA8];
	_ =	sdelay $0x3  }
0x33: {  	p0 =	seq.s32 s10, $0x1;
	s10 =	sld [smem:$0x3FAA];
	_ =	sdelay $0x3  }
0x34: {  	[smem:$0x3FAA] =	sst s10  }
0x35: {  	s10 =	sld [smem:$0x3FA9];
	_ =	sdelay $0x3  }
0x36: {  	p1 =	seq.s32 s10, $0x1;
	s10 =	sld [smem:$0x3FAA];
	_ =	sdelay $0x3  }
0x37: {  	[smem:$0x3FAA] =	sst s10  }
0x38: {  	s10 =	sld [smem:$0x3FAB]  }
0x39: {  	_ = 	snop;
	(pc) =	sbr.ind lr, $3  }
0x3a: {  	_ = 	snop  }
0x3b: {  	_ = 	snop  }
0x3c: {  	p2 =	seq.s32 s10, $0x1;
	s10 =	sld [smem:$0x3FAA]  }
0x3d: {  	_ =	shalt  }
0x3e: {  	_ =	shalt  }
0x3f: {  	_ =	shalt  }
0x40: {  	_ =	shalt  }
0x41: {  	_ =	shalt  }
0x42: {  	_ =	shalt  }
0x43: {  	_ =	shalt  }
0x44: {  	_ =	shalt  }
0x45: {  	_ =	shalt  }
0x46: {  	_ =	shalt  }
0x47: {  	_ =	shalt  }
0x48: {  	_ =	shalt  }
0x49: {  	_ =	shalt  }
0x4a: {  	_ =	shalt  }
0x4b: {  	_ =	shalt  }
0x4c: {  	_ =	shalt  }
0x4d: {  	_ =	shalt  }
0x4e: {  	_ =	shalt  }
0x4f: {  	_ =	shalt  }
0x50: {  	_ =	shalt  }
0x51: {  	_ =	shalt  }
0x52: {  	_ =	shalt  }
0x53: {  	_ =	shalt  }
0x54: {  	_ =	shalt  }
0x55: {  	_ =	shalt  }
0x56: {  	_ =	shalt  }
0x57: {  	_ =	shalt  }
0x58: {  	_ =	shalt  }
0x59: {  	_ =	shalt  }
0x5a: {  	_ =	shalt  }
0x5b: {  	_ =	shalt  }
0x5c: {  	_ =	shalt  }
0x5d: {  	_ =	shalt  }
0x5e: {  	_ =	shalt  }
0x5f: {  	_ =	shalt  }
0x60: {  	_ =	shalt  }
0x61: {  	_ =	shalt  }
0x62: {  	_ =	shalt  }
0x63: {  	_ =	shalt  }
0x64: {  	_ =	shalt  }
0x65: {  	_ =	shalt  }
0x66: {  	_ =	shalt  }
0x67: {  	_ =	shalt  }
0x68: {  	_ =	shalt  }
0x69: {  	_ =	shalt  }
0x6a: {  	_ =	shalt  }
0x6b: {  	_ =	shalt  }
0x6c: {  	_ =	shalt  }
0x6d: {  	_ =	shalt  }
0x6e: {  	_ =	shalt  }
0x6f: {  	_ =	shalt  }
0x70: {  	_ =	shalt  }
0x71: {  	_ =	shalt  }
0x72: {  	_ =	shalt  }
0x73: {  	_ =	shalt  }
0x74: {  	_ =	shalt  }
0x75: {  	_ =	shalt  }
0x76: {  	_ =	shalt  }
0x77: {  	_ =	shalt  }
0x78: {  	_ =	shalt  }
0x79: {  	_ =	shalt  }
0x7a: {  	_ =	shalt  }
0x7b: {  	_ =	shalt  }
0x7c: {  	_ =	shalt  }
0x7d: {  	_ =	shalt  }
0x7e: {  	_ =	shalt  }
0x7f: {  	_ =	shalt  }
0x80: {  	_ =	shalt  }
0x81: {  	_ =	shalt  }
0x82: {  	_ =	shalt  }
0x83: {  	_ =	shalt  }
0x84: {  	_ =	shalt  }
0x85: {  	_ =	shalt  }
0x86: {  	_ =	shalt  }
0x87: {  	_ =	shalt  }
.Lfunc_end0:
.L_simem_size_0:
called_computation.1_lowered:
.L_overlay_start_0:
0x88: {  	s2 =	sld [smem:$0x3FD9]  }
0x89: {  	s3 =	sld [smem:$0x3FFE];
	_ =	sdelay $0x1  }
0x8a: {  	s1 =	srdreg.scid  }
0x8b: {  	s0 =	sand.u32 $0x1, s1  }
0x8c: {  	s16 =	sshll.u32 s0, $0xA;
	s2 =	sadd.s32 s3, s2  }
0x8d: {  	s2 =	sadd.s32 s2, s16  }
0x8e: {  	[smem:$0x3FB6] =	sst s2  }
0x8f: {  	_ = 	snop  }
0x90: {  	(tm) =	ssettm $0x1  }
0x91: {  	s17 =	sld [smem:$0x3FFB];
	_ =	sdelay $0x3  }
0x92: {  	_ =	strace s17  }
0x93: {  	s2 =	sld [smem:$0x3FFC];
	_ =	sdelay $0x3  }
0x94: {  	_ =	strace s2  }
0x95: {  	s2 =	sld [smem:$0x3FFD];
	_ =	sdelay $0x3  }
0x96: {  	_ =	strace s2  }
0x97: {  	_ =	strace $0x8FFFFFFF  }
0x98: {  	s18 =	sld [smem:$0x3FDB];
	_ =	sdelay $0x1  }
0x99: {  	s19 =	simm.s32 $_scs_section_size  }
0x9a: {  	s4 =	simm.s32 $_size__tile_overlayer_lowered;
	s5 =	simm.s32 $_tile_overlayer_lowered  }
0x9b: {  	s22 =	simm.s32 $0x1BFF;
	s21 =	sshll.u32 s5, $0x1;
	s2 =	sadd.s32 s19, s18  }
0x9c: {  	s6 =	simm.s32 $0x0;
	s20 =	sshll.u32 s4, $0x1;
	s4 =	sadd.s32 s21, s2  }
0x9d: {  	[timem:s6], [sflag:s22] =	dma.local [hbm:s4], s20  }
0x9e: {  	_ =	swait.ge [sflag:s22], s20  }
0x9f: {  	s3 =	ssub.s32 $0x0, s20;
	[sflag:s22] =	ssyncset.done $0x0  }
0xa0: {  	[sflag:s22] =	ssyncadd.s32 s3;
	_ =	sdelay $0x1  }
0xa1: {  	s23 =	simm.s32 $0x1B8B  }
0xa2: {  	_ =	swait.ge [sflag:s23], $0x1  }
0xa3: {  	[sflag:s23] =	ssyncset.done $0x0  }
0xa4: {  	s25 =	simm.s32 $0x1B8E;
	s24 =	sld [smem:$0x3FFE];
	[sflag:s23] =	ssyncadd.s32 $0xFFFFFFFF  }
0xa5: {  	s26 =	simm.s32 $execute0_lowered;
	[smem:$0x3FD2] =	sst s25  }
0xa6: {  	s4 =	sshll.u32 s26, $0x1;
	_ =	strace $0x80000049;
	[dreg:$0x1] =	wrdreg $0xFFFFFFFF  }
0xa7: {  	s28 =	simm.s32 $_size_execute0_lowered;
	s2 =	sadd.s32 s2, s4;
	[dreg:$0x0] =	wrdreg $0x0  }
0xa8: {  	s4 =	sshll.u32 s28, $0x1;
	[dreg:$0x2] =	wrdreg s2  }
0xa9: {  	[dreg:$0x3] =	wrdreg s4  }
0xaa: {  	[dreg:$0x4] =	wrdreg $0xC0  }
0xab: {  	_ =	task [dreg:s6], $0x5FFFF  }
0xac: {  	[dreg:$0x1] =	wrdreg $0xFFFFFFFF  }
0xad: {  	[dreg:$0x0] =	wrdreg $0x60  }
0xae: {  	[dreg:$0x2] =	wrdreg s24  }
0xaf: {  	[dreg:$0x3] =	wrdreg $0x29000  }
0xb0: {  	[dreg:$0x4] =	wrdreg $0x9  }
0xb1: {  	_ =	task.clear_ibuf [dreg:s6], $0x5FFFF;
	_ =	strace $0x90000049  }
0xb2: {  	s29 =	simm.s32 $0x9;
	_ =	strace $0x8000004B  }
0xb3: {  	_ =	swait.ge [sflag:s29], $0x1  }
0xb4: {  	[sflag:s29] =	ssyncadd.s32 $0xFFFFFFFF  }
0xb5: {  	_ =	strace $0x9000004B  }
0xb6: {  	_ =	sfence  }
0xb7: {  	s30 =	sld [smem:$0x0];
	_ =	sdelay $0x2  }
0xb8: {  	s31 =	sshll.u32 s1, $0xD;
	s1 =	sshrl.u32 s1, $0x2  }
0xb9: {  	s3 =	sand.u32 $0x4000, s31;
	s1 =	sadd.s32 s1, s30  }
0xba: {  	s0 =	sor.u32 s3, s0;
	s1 =	sshll.u32 s1, $0x11  }
0xbb: {  	s0 =	sor.u32 s1, s0  }
0xbc: {  	s0 =	sadd.s32 $0x8F2B, s0  }
0xbd: {  	[sflag:s0] =	ssyncadd.remote.s32 $0x1  }
0xbe: {  	_ =	sfence.sel $0xFFFF  }
0xbf: {  	[dreg:$0x0] =	wrdreg $0xFFFFFFFF;
	(pc) =	sbr.abs _section_cstart, $3  }
0xc0: {  	[dreg:$0x1] =	wrdreg $0xFFFFFFFF  }
0xc1: {  	_ =	task.clear_ibuf [dreg:s6], $0x2FFFF;
	_ =	strace $0x9FFFFFFF  }
0xc2: {  	(tm) =	ssettm $0x7FFFFFFF  }
0xc3: {  	_ =	shalt  }
tec
execute0_lowered:
.L_overlay_start_1:
0x0: {  	(tag) =	ssettag $0x1  }
0x1: {  	s5 =	rddreg [dreg:$0x0]  }
0x2: {  	s2 =	rddreg [dreg:$0x1]  }
0x3: {  	s0 =	srdreg.scid;
	s1 =	rddreg [dreg:$0x2];
	s3 =	simm.s32 $0x0  }
0x4: {  	s13 =	simm.s32 $0x80;
	s14 =	simm.s32 $0x1;
	s6 =	sand.u32 $0x1, s0  }
0x5: {  	s15 =	simm.s32 $0x50;
	s0 =	stileid.u32;
	s4 =	smul.u32 $0x27100, s6  }
0x6: {  	s16 =	simm.s32 $0x100;
	s17 =	simm.s32 $0x2;
	s7 =	smul.u32 $0x2710, s0  }
0x7: {  	s18 =	simm.s32 $0x0;
	[smem:$0x7FF] =	sst s3;
	s25 =	smul.u32 $0x2800, s0  }
0x8: {  	s9 =	smul.u32 $0x28000, s6;
	_ =	strace $0x8000004A;
	s6 =	ssub.s32 $0x2, s6  }
0x9: {  	s28 =	smul.u32 $0x50000, s0;
	s31 =	sshll.u32 s0, $0x6;
	s29 =	sshrl.u32 s6, $0x1  }
0xa: {  	s4 =	sadd.s32 s7, s4;
	s26 =	sadd.s32 s25, s9;
	s7 =	sadd.s32 s25, s5  }
0xb: {  	s11 =	ssub.s32 s6, s29;
	s30 =	sshrl.u32 s28, $0x2;
	s6 =	sor.u32 $0x1C03, s31  }
0xc: {  	s8 =	sshrl.u32 s4, $0x3;
	s4 =	sadd.s32 $0x3F600, s5;
	s12 =	sadd.s32 s30, s2  }
0xd: {  	s10 =	sadd.s32 s8, s5;
	s8 =	sadd.s32 s26, s5;
	s5 =	sadd.s32 $0x17600, s7  }
0xe: {  	s7 =	sadd.s32 $0x66800, s8;
	s8 =	smax.u32 s11, $0x1;
	s9 =	sadd.s32 $0x3A00, s10  }
0xf: {  	s10 =	sadd.s32 $0xD800, s10;
	s11 =	sshrl.u32 s12, $0x3;
	s12 =	simm.s32 $0x3  }
.LBB2_1:
0x10: {  	[spmem:s11], [sflag:s6] =	dma.local [hbm:s5], $0x2800  }
0x11: {  	_ =	swait.ge [sflag:s12], $0x2800  }
0x12: {  	[sflag:s12] =	ssyncset.done $0x0  }
0x13: {  	[sflag:s12] =	ssyncadd.s32 $0xFFFFD800  }
0x14: {  	s19 =	sadd.s32 $0x0, s10;
	[bflag:$0x0] =	sbarrier.arrive $0xFFFF  }
0x15: {  	[tilespmem:s3], [sflag:$0x1] =	stream.linear.gather [hbm4b:s19+s3], $0x50, $0x38;
	[tilespmem:$0x16900] =	vst v63  }
0x16: {  	s31 =	sadd.s32 $0x0, s9  }
0x17: {  	[tilespmem:s13], [sflag:$0x1] =	stream.linear.gather [hbm4b:s31+s3], $0x50, $0x38;
	[tilespmem:$0x16900] =	vst v63  }
0x18: {  	_ =	swait.ge [sflag:s14], $0x50  }
0x19: {  	[sflag:s14] =	ssyncset.done $0x0  }
0x1a: {  	[sflag:s14] =	ssyncadd.s32 $0xFFFFFFB0  }
0x1b: {  	_ =	swait.ge [sflag:s14], $0x50  }
0x1c: {  	[sflag:s14] =	ssyncset.done $0x0  }
0x1d: {  	[sflag:s14] =	ssyncadd.s32 $0xFFFFFFB0  }
0x1e: {  	[tilespmem:s16], [sflag:$0x2] =	stream.indirect.gather [hbm4b:s4+s15], $0x80, s3, s15, $0xb8;
	[tilespmem:$0x16900] =	vst v63  }
0x1f: {  	_ =	swait.ge [sflag:s17], $0x2800  }
0x20: {  	[sflag:s17] =	ssyncset.done $0x0  }
0x21: {  	[sflag:s17] =	ssyncadd.s32 $0xFFFFD800  }
0x22: {  	[spmem:s2] =	stream.indirect.scatter.add.f32 [tilespmem:s16], [sflag:$0x3], $0x80, s13, s15, $0xb8;
	[tilespmem:$0x16900] =	vst v63  }
0x23: {  	_ =	swait.ge [sflag:s12], $0x2800  }
0x24: {  	s20 =	simm.s32 $0x14;
	s19 =	simm.s32 $0xA;
	[sflag:s12] =	ssyncset.done $0x0  }
.LBB2_2:
0x25: {  	s21 =	sadd.s32 s19, s10  }
0x26: {  	[sflag:s12] =	ssyncadd.s32 $0xFFFFD800;
	s22 =	smov.u32 s20;
	s23 =	sadd.s32 $0xA, s20  }
0x27: {  	[tilespmem:s3], [sflag:$0x1] =	stream.linear.gather [hbm4b:s21+s3], $0x50, $0x38;
	[tilespmem:$0x16900] =	vst v63  }
0x28: {  	p0 =	sne.s32 s20, $0x4D8;
	s20 =	sadd.s32 s19, s9;
	s19 =	smov.u32 s22  }
0x29: {  	[tilespmem:s13], [sflag:$0x1] =	stream.linear.gather [hbm4b:s20+s3], $0x50, $0x38;
	[tilespmem:$0x16900] =	vst v63  }
0x2a: {  	_ =	swait.ge [sflag:s14], $0x50  }
0x2b: {  	[sflag:s14] =	ssyncset.done $0x0  }
0x2c: {  	[sflag:s14] =	ssyncadd.s32 $0xFFFFFFB0  }
0x2d: {  	_ =	swait.ge [sflag:s14], $0x50  }
0x2e: {  	[sflag:s14] =	ssyncset.done $0x0  }
0x2f: {  	[sflag:s14] =	ssyncadd.s32 $0xFFFFFFB0  }
0x30: {  	[tilespmem:s16], [sflag:$0x2] =	stream.indirect.gather [hbm4b:s4+s15], $0x80, s3, s15, $0xb8;
	[tilespmem:$0x16900] =	vst v63  }
0x31: {  	_ =	swait.ge [sflag:s17], $0x2800  }
.Ltmp0:
0x32: {  	[sflag:s17] =	ssyncset.done $0x0;
	(pc) =	sbr.rel @p0 .LBB2_2-.Ltmp0, $4  }
0x33: {  	[sflag:s17] =	ssyncadd.s32 $0xFFFFD800  }
0x34: {  	[spmem:s2] =	stream.indirect.scatter.add.f32 [tilespmem:s16], [sflag:$0x3], $0x80, s13, s15, $0xb8;
	[tilespmem:$0x16900] =	vst v63  }
0x35: {  	_ =	swait.ge [sflag:s12], $0x2800  }
0x36: {  	s20 =	smov.u32 s23;
	[sflag:s12] =	ssyncset.done $0x0  }
0x37: {  	s20 =	sadd.s32 s19, s10;
	[sflag:s12] =	ssyncadd.s32 $0xFFFFD800  }
0x38: {  	[tilespmem:s3], [sflag:$0x1] =	stream.linear.gather [hbm4b:s20+s3], $0x50, $0x38;
	[tilespmem:$0x16900] =	vst v63  }
0x39: {  	s31 =	sadd.s32 s19, s9  }
0x3a: {  	[tilespmem:s13], [sflag:$0x1] =	stream.linear.gather [hbm4b:s31+s3], $0x50, $0x38;
	[tilespmem:$0x16900] =	vst v63  }
0x3b: {  	_ =	swait.ge [sflag:s14], $0x50  }
0x3c: {  	[sflag:s14] =	ssyncset.done $0x0  }
0x3d: {  	[sflag:s14] =	ssyncadd.s32 $0xFFFFFFB0  }
0x3e: {  	_ =	swait.ge [sflag:s14], $0x50  }
0x3f: {  	[sflag:s14] =	ssyncset.done $0x0  }
0x40: {  	[sflag:s14] =	ssyncadd.s32 $0xFFFFFFB0  }
0x41: {  	[tilespmem:s16], [sflag:$0x2] =	stream.indirect.gather [hbm4b:s4+s15], $0x80, s3, s15, $0xb8;
	[tilespmem:$0x16900] =	vst v63  }
0x42: {  	_ =	swait.ge [sflag:s17], $0x2800  }
0x43: {  	[sflag:s17] =	ssyncset.done $0x0  }
0x44: {  	[sflag:s17] =	ssyncadd.s32 $0xFFFFD800  }
0x45: {  	[spmem:s2] =	stream.indirect.scatter.add.f32 [tilespmem:s16], [sflag:$0x3], $0x80, s13, s15, $0xb8;
	[tilespmem:$0x16900] =	vst v63  }
0x46: {  	_ =	swait.ge [sflag:s12], $0x2800  }
0x47: {  	s18 =	sadd.s32 $0x1, s18;
	[sflag:s12] =	ssyncset.done $0x0  }
0x48: {  	p0 =	sne.s32 s18, s8;
	[sflag:s12] =	ssyncadd.s32 $0xFFFFD800  }
.Ltmp1:
0x49: {  	[bflag:$0x0] =	sbarrier.arrive $0xFFFF;
	(pc) =	sbr.rel @p0 .LBB2_1-.Ltmp1, $4  }
0x4a: {  	[hbm:s7], [sflag:s6] =	dma.local [spmem:s11], $0x2800  }
0x4b: {  	_ =	swait.ge [sflag:s12], $0x2800  }
0x4c: {  	[sflag:s12] =	ssyncset.done $0x0  }
0x4d: {  	[sflag:s12] =	ssyncadd.s32 $0xFFFFD800  }
0x4e: {  	_ =	sfence.sel $0x180000  }
0x4f: {  	[bflag:$0x0] =	sbarrier.arrive $0xFFFF  }
0x50: {  	p0 =	sne.s32 s0, $0x0;
	_ =	strace $0x9000004A  }
0x51: {  	s0 =	sadd.s32 @!p0 $0x100000, s1;
	[bflag:$0x2] =	sbarrier.arrive $0xFFFF  }
0x52: {  	[sflag:s0] =	ssyncadd.tile.s32 @!p0 $0x1;
	_ =	shalt  }
.Lfunc_end2:
_tile_overlayer_lowered:
.L_overlay_start_2:
0x53: {  	(tag) =	ssettag $0x2  }
0x54: {  	s0 =	rddreg [dreg:$0x0];
	s2 =	stileid.u32  }
0x55: {  	s1 =	rddreg [dreg:$0x1];
	p0 =	sne.s32 s2, $0x0  }
0x56: {  	s3 =	rddreg [dreg:$0x2];
	[bflag:$0x3] =	sbarrier.arrive $0xFFFF;
	s2 =	simm.s32 @!p0 $0x1C03  }
0x57: {  	[timem:s3], [sflag:s2] =	dma.local @!p0 [hbm:s0], s1  }
0x58: {  	s0 =	simm.s32 @!p0 $0x3  }
0x59: {  	_ =	swait.ge @!p0 [sflag:s0], s1  }
0x5a: {  	s1 =	ssub.s32 @!p0 $0x0, s1;
	[sflag:s0] =	ssyncset.done @!p0 $0x0  }
0x5b: {  	[sflag:s0] =	ssyncadd.s32 @!p0 s1  }
0x5c: {  	[bflag:$0x3] =	sbarrier.arrive $0xFFFF  }
0x5d: {  	_ =	shalt  }

// kernel: kernel.15.cloned.1.call-start
scs
__scs_entry_jumppad:
0x0: {  	(pc) =	sbr.rel $0x88, $3  }
0x1: {  	(tag) =	ssettag $0x0;
	lr =	simm.s32 $0x1  }
0x2: {  	[smem:$0x3F8F] =	sst lr;
	_ =	strace $0xD0000000  }
0x3: {  	_ = 	snop  }
0x4: {  	_ = 	snop  }
0x5: {  	_ = 	snop  }
0x6: {  	_ = 	snop  }
0x7: {  	_ = 	snop  }
__scs_overlays_trampoline_lowered:
0x8: {  	[smem:$0x3F9E] =	sst s0  }
0x9: {  	[smem:$0x3F9F] =	sst s1  }
0xa: {  	[smem:$0x3FA0] =	sst s2  }
0xb: {  	[smem:$0x3FA1] =	sst s3  }
0xc: {  	[smem:$0x3FA2] =	sst s4  }
0xd: {  	[smem:$0x3FA3] =	sst s5  }
0xe: {  	[smem:$0x3FA4] =	sst s6  }
0xf: {  	[smem:$0x3FA5] =	sst s7  }
0x10: {  	[smem:$0x3FA6] =	sst s8  }
0x11: {  	[smem:$0x3FA7] =	sst s9;
	s0 =	simm.s32 @!p0 $0x0  }
0x12: {  	s1 =	sld [smem:$0x3F8D];
	s0 =	simm.s32 @p0 $0x1  }
0x13: {  	[smem:$0x3FA8] =	sst s0;
	s0 =	simm.s32 @!p1 $0x0  }
0x14: {  	s2 =	sld [smem:$0x3F8C];
	s0 =	simm.s32 @p1 $0x1  }
0x15: {  	[smem:$0x3FA9] =	sst s0;
	s0 =	simm.s32 @!p2 $0x0  }
0x16: {  	s3 =	sld [smem:$0x3FDB];
	s0 =	simm.s32 @p2 $0x1  }
0x17: {  	s4 =	simm.s32 $0x1BF5;
	[smem:$0x3FAB] =	sst s0  }
0x18: {  	s0 =	sld [smem:$0x3F8E];
	_ =	swait.ge [sflag:s4], $0x0  }
0x19: {  	s7 =	sld [smem:$0x3F8F]  }
0x1a: {  	s8 =	sadd.s32 $0xFFFFE003, lr  }
0x1b: {  	s9 =	sadd.s32 $0xFFFFFEF7, lr;
	s5 =	simm.s32 $0xFFFFFFFF;
	p2 =	slt.u32 s8, $0xFFFFF086  }
0x1c: {  	p1 =	slt.u32 s9, $0xF7A;
	s5 =	simm.s32 @!p2 $0x0  }
0x1d: {  	s5 =	simm.s32 @p1 $0x1;
	p0 =	seq.s32 s7, s2  }
0x1e: {  	s7 =	smul.u32 @!p0 $0xF7A, s2;
	p2 =	seq.s32 @!p0 s5, $0x0  }
0x1f: {  	s9 =	smul.u32 $0xF7A, s1;
	s8 =	simm.s32 @!p0 $0x1BF5;
	p2 =	por !p2, p0  }
0x20: {  	[sflag:s8] =	ssyncset.s32 @!p0 $0xFFFFF086;
	s6 =	sadd.s32 @!p0 s3, s7;
	s7 =	simm.s32 @!p0 $0x108  }
0x21: {  	s3 =	sadd.s32 s3, s9;
	s6 =	sadd.s32 @!p0 $0x88, s6;
	s7 =	simm.s32 @p2 $0x1082  }
0x22: {  	[simem:s7], [sflag:s8] =	dma.local @!p0 [hbm:s6], $0xF7A  }
0x23: {  	s9 =	sor.u32 $0xD0000000, s2;
	s6 =	simm.s32 $0x108;
	_ =	swait.ge @!p0 [sflag:s8], $0x0  }
0x24: {  	s3 =	sadd.s32 $0x88, s3;
	s6 =	simm.s32 @!p1 $0x1082;
	[sflag:s4] =	ssyncset.s32 $0xFFFFF086  }
0x25: {  	[simem:s6], [sflag:s4] =	dma.local [hbm:s3], $0xF7A  }
0x26: {  	[smem:$0x3F8F] =	sst s1;
	(tag) =	ssettag s2;
	_ =	strace s9  }
0x27: {  	s1 =	sld [smem:$0x3F9F]  }
0x28: {  	s2 =	sld [smem:$0x3FA0]  }
0x29: {  	s4 =	sld [smem:$0x3FA2]  }
0x2a: {  	p0 =	seq.s32 s5, $0x0;
	s5 =	sld [smem:$0x3FA3]  }
0x2b: {  	s6 =	sld [smem:$0x3FA4]  }
0x2c: {  	s7 =	sld [smem:$0x3FA5]  }
0x2d: {  	s3 =	simm.s32 $0x108;
	s8 =	sld [smem:$0x3FA6]  }
0x2e: {  	s3 =	simm.s32 @!p0 $0x1082;
	s9 =	sld [smem:$0x3FA7]  }
0x2f: {  	lr =	sadd.s32 s0, s3;
	s0 =	sld [smem:$0x3F9E]  }
0x30: {  	s3 =	sld [smem:$0x3FA1]  }
0x31: {  	[smem:$0x3FAA] =	sst s10  }
0x32: {  	s10 =	sld [smem:$0x3FA8];
	_ =	sdelay $0x3  }
0x33: {  	p0 =	seq.s32 s10, $0x1;
	s10 =	sld [smem:$0x3FAA];
	_ =	sdelay $0x3  }
0x34: {  	[smem:$0x3FAA] =	sst s10  }
0x35: {  	s10 =	sld [smem:$0x3FA9];
	_ =	sdelay $0x3  }
0x36: {  	p1 =	seq.s32 s10, $0x1;
	s10 =	sld [smem:$0x3FAA];
	_ =	sdelay $0x3  }
0x37: {  	[smem:$0x3FAA] =	sst s10  }
0x38: {  	s10 =	sld [smem:$0x3FAB]  }
0x39: {  	_ = 	snop;
	(pc) =	sbr.ind lr, $3  }
0x3a: {  	_ = 	snop  }
0x3b: {  	_ = 	snop  }
0x3c: {  	p2 =	seq.s32 s10, $0x1;
	s10 =	sld [smem:$0x3FAA]  }
0x3d: {  	_ =	shalt  }
0x3e: {  	_ =	shalt  }
0x3f: {  	_ =	shalt  }
0x40: {  	_ =	shalt  }
0x41: {  	_ =	shalt  }
0x42: {  	_ =	shalt  }
0x43: {  	_ =	shalt  }
0x44: {  	_ =	shalt  }
0x45: {  	_ =	shalt  }
0x46: {  	_ =	shalt  }
0x47: {  	_ =	shalt  }
0x48: {  	_ =	shalt  }
0x49: {  	_ =	shalt  }
0x4a: {  	_ =	shalt  }
0x4b: {  	_ =	shalt  }
0x4c: {  	_ =	shalt  }
0x4d: {  	_ =	shalt  }
0x4e: {  	_ =	shalt  }
0x4f: {  	_ =	shalt  }
0x50: {  	_ =	shalt  }
0x51: {  	_ =	shalt  }
0x52: {  	_ =	shalt  }
0x53: {  	_ =	shalt  }
0x54: {  	_ =	shalt  }
0x55: {  	_ =	shalt  }
0x56: {  	_ =	shalt  }
0x57: {  	_ =	shalt  }
0x58: {  	_ =	shalt  }
0x59: {  	_ =	shalt  }
0x5a: {  	_ =	shalt  }
0x5b: {  	_ =	shalt  }
0x5c: {  	_ =	shalt  }
0x5d: {  	_ =	shalt  }
0x5e: {  	_ =	shalt  }
0x5f: {  	_ =	shalt  }
0x60: {  	_ =	shalt  }
0x61: {  	_ =	shalt  }
0x62: {  	_ =	shalt  }
0x63: {  	_ =	shalt  }
0x64: {  	_ =	shalt  }
0x65: {  	_ =	shalt  }
0x66: {  	_ =	shalt  }
0x67: {  	_ =	shalt  }
0x68: {  	_ =	shalt  }
0x69: {  	_ =	shalt  }
0x6a: {  	_ =	shalt  }
0x6b: {  	_ =	shalt  }
0x6c: {  	_ =	shalt  }
0x6d: {  	_ =	shalt  }
0x6e: {  	_ =	shalt  }
0x6f: {  	_ =	shalt  }
0x70: {  	_ =	shalt  }
0x71: {  	_ =	shalt  }
0x72: {  	_ =	shalt  }
0x73: {  	_ =	shalt  }
0x74: {  	_ =	shalt  }
0x75: {  	_ =	shalt  }
0x76: {  	_ =	shalt  }
0x77: {  	_ =	shalt  }
0x78: {  	_ =	shalt  }
0x79: {  	_ =	shalt  }
0x7a: {  	_ =	shalt  }
0x7b: {  	_ =	shalt  }
0x7c: {  	_ =	shalt  }
0x7d: {  	_ =	shalt  }
0x7e: {  	_ =	shalt  }
0x7f: {  	_ =	shalt  }
0x80: {  	_ =	shalt  }
0x81: {  	_ =	shalt  }
0x82: {  	_ =	shalt  }
0x83: {  	_ =	shalt  }
0x84: {  	_ =	shalt  }
0x85: {  	_ =	shalt  }
0x86: {  	_ =	shalt  }
0x87: {  	_ =	shalt  }
.Lfunc_end0:
.L_simem_size_0:
called_computation.2_lowered:
.L_overlay_start_0:
0x88: {  	s2 =	sld [smem:$0x3FD9]  }
0x89: {  	s3 =	sld [smem:$0x3FFE];
	_ =	sdelay $0x1  }
0x8a: {  	s1 =	srdreg.scid  }
0x8b: {  	s0 =	sand.u32 $0x1, s1  }
0x8c: {  	s16 =	sshll.u32 s0, $0xA;
	s2 =	sadd.s32 s3, s2  }
0x8d: {  	s2 =	sadd.s32 s2, s16  }
0x8e: {  	[smem:$0x3FB6] =	sst s2  }
0x8f: {  	_ = 	snop  }
0x90: {  	(tm) =	ssettm $0x1  }
0x91: {  	s17 =	sld [smem:$0x3FFB];
	_ =	sdelay $0x3  }
0x92: {  	_ =	strace s17  }
0x93: {  	s2 =	sld [smem:$0x3FFC];
	_ =	sdelay $0x3  }
0x94: {  	_ =	strace s2  }
0x95: {  	s2 =	sld [smem:$0x3FFD];
	_ =	sdelay $0x3  }
0x96: {  	_ =	strace s2  }
0x97: {  	_ =	strace $0x8FFFFFFF  }
0x98: {  	s18 =	sld [smem:$0x3FDB];
	_ =	sdelay $0x1  }
0x99: {  	s19 =	simm.s32 $_scs_section_size  }
0x9a: {  	s4 =	simm.s32 $_size__tile_overlayer_lowered;
	s5 =	simm.s32 $_tile_overlayer_lowered  }
0x9b: {  	s22 =	simm.s32 $0x1BFF;
	s21 =	sshll.u32 s5, $0x1;
	s2 =	sadd.s32 s19, s18  }
0x9c: {  	s6 =	simm.s32 $0x0;
	s20 =	sshll.u32 s4, $0x1;
	s4 =	sadd.s32 s21, s2  }
0x9d: {  	[timem:s6], [sflag:s22] =	dma.local [hbm:s4], s20  }
0x9e: {  	_ =	swait.ge [sflag:s22], s20  }
0x9f: {  	s3 =	ssub.s32 $0x0, s20;
	[sflag:s22] =	ssyncset.done $0x0  }
0xa0: {  	[sflag:s22] =	ssyncadd.s32 s3;
	_ =	sdelay $0x1  }
0xa1: {  	s23 =	simm.s32 $0x1B8B  }
0xa2: {  	_ =	swait.ge [sflag:s23], $0x1  }
0xa3: {  	[sflag:s23] =	ssyncset.done $0x0  }
0xa4: {  	s25 =	simm.s32 $0x1B8E;
	s24 =	sld [smem:$0x3FFE];
	[sflag:s23] =	ssyncadd.s32 $0xFFFFFFFF  }
0xa5: {  	s26 =	simm.s32 $execute0_lowered;
	[smem:$0x3FD2] =	sst s25  }
0xa6: {  	s4 =	sshll.u32 s26, $0x1;
	_ =	strace $0x8000004C;
	[dreg:$0x1] =	wrdreg $0xFFFFFFFF  }
0xa7: {  	s28 =	simm.s32 $_size_execute0_lowered;
	s2 =	sadd.s32 s2, s4;
	[dreg:$0x0] =	wrdreg $0x0  }
0xa8: {  	s4 =	sshll.u32 s28, $0x1;
	[dreg:$0x2] =	wrdreg s2  }
0xa9: {  	[dreg:$0x3] =	wrdreg s4  }
0xaa: {  	[dreg:$0x4] =	wrdreg $0xC0  }
0xab: {  	_ =	task [dreg:s6], $0x5FFFF  }
0xac: {  	[dreg:$0x1] =	wrdreg $0xFFFFFFFF  }
0xad: {  	[dreg:$0x0] =	wrdreg $0x60  }
0xae: {  	[dreg:$0x2] =	wrdreg s24  }
0xaf: {  	[dreg:$0x3] =	wrdreg $0x29000  }
0xb0: {  	[dreg:$0x4] =	wrdreg $0x9  }
0xb1: {  	_ =	task.clear_ibuf [dreg:s6], $0x5FFFF;
	_ =	strace $0x9000004C  }
0xb2: {  	s29 =	simm.s32 $0x9;
	_ =	strace $0x8000004E  }
0xb3: {  	_ =	swait.ge [sflag:s29], $0x1  }
0xb4: {  	[sflag:s29] =	ssyncadd.s32 $0xFFFFFFFF  }
0xb5: {  	_ =	strace $0x9000004E  }
0xb6: {  	_ =	sfence  }
0xb7: {  	s30 =	sld [smem:$0x0];
	_ =	sdelay $0x2  }
0xb8: {  	s31 =	sshll.u32 s1, $0xD;
	s1 =	sshrl.u32 s1, $0x2  }
0xb9: {  	s3 =	sand.u32 $0x4000, s31;
	s1 =	sadd.s32 s1, s30  }
0xba: {  	s0 =	sor.u32 s3, s0;
	s1 =	sshll.u32 s1, $0x11  }
0xbb: {  	s0 =	sor.u32 s1, s0  }
0xbc: {  	s0 =	sadd.s32 $0x8F2B, s0  }
0xbd: {  	[sflag:s0] =	ssyncadd.remote.s32 $0x1  }
0xbe: {  	_ =	sfence.sel $0xFFFF  }
0xbf: {  	[dreg:$0x0] =	wrdreg $0xFFFFFFFF;
	(pc) =	sbr.abs _section_cstart, $3  }
0xc0: {  	[dreg:$0x1] =	wrdreg $0xFFFFFFFF  }
0xc1: {  	_ =	task.clear_ibuf [dreg:s6], $0x2FFFF;
	_ =	strace $0x9FFFFFFF  }
0xc2: {  	(tm) =	ssettm $0x7FFFFFFF  }
0xc3: {  	_ =	shalt  }
tec
execute0_lowered:
.L_overlay_start_1:
0x0: {  	(tag) =	ssettag $0x1  }
0x1: {  	s5 =	rddreg [dreg:$0x0]  }
0x2: {  	s2 =	rddreg [dreg:$0x1]  }
0x3: {  	s0 =	srdreg.scid;
	s1 =	rddreg [dreg:$0x2];
	s3 =	simm.s32 $0x0  }
0x4: {  	s13 =	simm.s32 $0x80;
	s14 =	simm.s32 $0x1;
	s6 =	sand.u32 $0x1, s0  }
0x5: {  	s15 =	simm.s32 $0x50;
	s0 =	stileid.u32;
	s4 =	smul.u32 $0x27100, s6  }
0x6: {  	s16 =	simm.s32 $0x100;
	s17 =	simm.s32 $0x2;
	s7 =	smul.u32 $0x2710, s0  }
0x7: {  	s18 =	simm.s32 $0x0;
	[smem:$0x7FF] =	sst s3;
	s25 =	smul.u32 $0x2800, s0  }
0x8: {  	s9 =	smul.u32 $0x28000, s6;
	_ =	strace $0x8000004D;
	s6 =	ssub.s32 $0x2, s6  }
0x9: {  	s28 =	smul.u32 $0x50000, s0;
	s31 =	sshll.u32 s0, $0x6;
	s29 =	sshrl.u32 s6, $0x1  }
0xa: {  	s4 =	sadd.s32 s7, s4;
	s26 =	sadd.s32 s25, s9;
	s7 =	sadd.s32 s25, s5  }
0xb: {  	s11 =	ssub.s32 s6, s29;
	s30 =	sshrl.u32 s28, $0x2;
	s6 =	sor.u32 $0x1C03, s31  }
0xc: {  	s8 =	sshrl.u32 s4, $0x3;
	s4 =	sadd.s32 $0x3F600, s5;
	s12 =	sadd.s32 s30, s2  }
0xd: {  	s10 =	sadd.s32 s8, s5;
	s8 =	sadd.s32 s26, s5;
	s5 =	sadd.s32 $0x17600, s7  }
0xe: {  	s7 =	sadd.s32 $0x66800, s8;
	s8 =	smax.u32 s11, $0x1;
	s9 =	sadd.s32 $0x3A00, s10  }
0xf: {  	s10 =	sadd.s32 $0xD800, s10;
	s11 =	sshrl.u32 s12, $0x3;
	s12 =	simm.s32 $0x3  }
.LBB2_1:
0x10: {  	[spmem:s11], [sflag:s6] =	dma.local [hbm:s5], $0x2800  }
0x11: {  	_ =	swait.ge [sflag:s12], $0x2800  }
0x12: {  	[sflag:s12] =	ssyncset.done $0x0  }
0x13: {  	[sflag:s12] =	ssyncadd.s32 $0xFFFFD800  }
0x14: {  	s19 =	sadd.s32 $0x0, s10;
	[bflag:$0x0] =	sbarrier.arrive $0xFFFF  }
0x15: {  	[tilespmem:s3], [sflag:$0x1] =	stream.linear.gather [hbm4b:s19+s3], $0x50, $0x38;
	[tilespmem:$0x16900] =	vst v63  }
0x16: {  	s31 =	sadd.s32 $0x0, s9  }
0x17: {  	[tilespmem:s13], [sflag:$0x1] =	stream.linear.gather [hbm4b:s31+s3], $0x50, $0x38;
	[tilespmem:$0x16900] =	vst v63  }
0x18: {  	_ =	swait.ge [sflag:s14], $0x50  }
0x19: {  	[sflag:s14] =	ssyncset.done $0x0  }
0x1a: {  	[sflag:s14] =	ssyncadd.s32 $0xFFFFFFB0  }
0x1b: {  	_ =	swait.ge [sflag:s14], $0x50  }
0x1c: {  	[sflag:s14] =	ssyncset.done $0x0  }
0x1d: {  	[sflag:s14] =	ssyncadd.s32 $0xFFFFFFB0  }
0x1e: {  	[tilespmem:s16], [sflag:$0x2] =	stream.indirect.gather [hbm4b:s4+s15], $0x80, s3, s15, $0xb8;
	[tilespmem:$0x16900] =	vst v63  }
0x1f: {  	_ =	swait.ge [sflag:s17], $0x2800  }
0x20: {  	[sflag:s17] =	ssyncset.done $0x0  }
0x21: {  	[sflag:s17] =	ssyncadd.s32 $0xFFFFD800  }
0x22: {  	[spmem:s2] =	stream.indirect.scatter.add.f32 [tilespmem:s16], [sflag:$0x3], $0x80, s13, s15, $0xb8;
	[tilespmem:$0x16900] =	vst v63  }
0x23: {  	_ =	swait.ge [sflag:s12], $0x2800  }
0x24: {  	s20 =	simm.s32 $0x14;
	s19 =	simm.s32 $0xA;
	[sflag:s12] =	ssyncset.done $0x0  }
.LBB2_2:
0x25: {  	s21 =	sadd.s32 s19, s10  }
0x26: {  	[sflag:s12] =	ssyncadd.s32 $0xFFFFD800;
	s22 =	smov.u32 s20;
	s23 =	sadd.s32 $0xA, s20  }
0x27: {  	[tilespmem:s3], [sflag:$0x1] =	stream.linear.gather [hbm4b:s21+s3], $0x50, $0x38;
	[tilespmem:$0x16900] =	vst v63  }
0x28: {  	p0 =	sne.s32 s20, $0x4D8;
	s20 =	sadd.s32 s19, s9;
	s19 =	smov.u32 s22  }
0x29: {  	[tilespmem:s13], [sflag:$0x1] =	stream.linear.gather [hbm4b:s20+s3], $0x50, $0x38;
	[tilespmem:$0x16900] =	vst v63  }
0x2a: {  	_ =	swait.ge [sflag:s14], $0x50  }
0x2b: {  	[sflag:s14] =	ssyncset.done $0x0  }
0x2c: {  	[sflag:s14] =	ssyncadd.s32 $0xFFFFFFB0  }
0x2d: {  	_ =	swait.ge [sflag:s14], $0x50  }
0x2e: {  	[sflag:s14] =	ssyncset.done $0x0  }
0x2f: {  	[sflag:s14] =	ssyncadd.s32 $0xFFFFFFB0  }
0x30: {  	[tilespmem:s16], [sflag:$0x2] =	stream.indirect.gather [hbm4b:s4+s15], $0x80, s3, s15, $0xb8;
	[tilespmem:$0x16900] =	vst v63  }
0x31: {  	_ =	swait.ge [sflag:s17], $0x2800  }
.Ltmp0:
0x32: {  	[sflag:s17] =	ssyncset.done $0x0;
	(pc) =	sbr.rel @p0 .LBB2_2-.Ltmp0, $4  }
0x33: {  	[sflag:s17] =	ssyncadd.s32 $0xFFFFD800  }
0x34: {  	[spmem:s2] =	stream.indirect.scatter.add.f32 [tilespmem:s16], [sflag:$0x3], $0x80, s13, s15, $0xb8;
	[tilespmem:$0x16900] =	vst v63  }
0x35: {  	_ =	swait.ge [sflag:s12], $0x2800  }
0x36: {  	s20 =	smov.u32 s23;
	[sflag:s12] =	ssyncset.done $0x0  }
0x37: {  	s20 =	sadd.s32 s19, s10;
	[sflag:s12] =	ssyncadd.s32 $0xFFFFD800  }
0x38: {  	[tilespmem:s3], [sflag:$0x1] =	stream.linear.gather [hbm4b:s20+s3], $0x50, $0x38;
	[tilespmem:$0x16900] =	vst v63  }
0x39: {  	s31 =	sadd.s32 s19, s9  }
0x3a: {  	[tilespmem:s13], [sflag:$0x1] =	stream.linear.gather [hbm4b:s31+s3], $0x50, $0x38;
	[tilespmem:$0x16900] =	vst v63  }
0x3b: {  	_ =	swait.ge [sflag:s14], $0x50  }
0x3c: {  	[sflag:s14] =	ssyncset.done $0x0  }
0x3d: {  	[sflag:s14] =	ssyncadd.s32 $0xFFFFFFB0  }
0x3e: {  	_ =	swait.ge [sflag:s14], $0x50  }
0x3f: {  	[sflag:s14] =	ssyncset.done $0x0  }
0x40: {  	[sflag:s14] =	ssyncadd.s32 $0xFFFFFFB0  }
0x41: {  	[tilespmem:s16], [sflag:$0x2] =	stream.indirect.gather [hbm4b:s4+s15], $0x80, s3, s15, $0xb8;
	[tilespmem:$0x16900] =	vst v63  }
0x42: {  	_ =	swait.ge [sflag:s17], $0x2800  }
0x43: {  	[sflag:s17] =	ssyncset.done $0x0  }
0x44: {  	[sflag:s17] =	ssyncadd.s32 $0xFFFFD800  }
0x45: {  	[spmem:s2] =	stream.indirect.scatter.add.f32 [tilespmem:s16], [sflag:$0x3], $0x80, s13, s15, $0xb8;
	[tilespmem:$0x16900] =	vst v63  }
0x46: {  	_ =	swait.ge [sflag:s12], $0x2800  }
0x47: {  	s18 =	sadd.s32 $0x1, s18;
	[sflag:s12] =	ssyncset.done $0x0  }
0x48: {  	p0 =	sne.s32 s18, s8;
	[sflag:s12] =	ssyncadd.s32 $0xFFFFD800  }
.Ltmp1:
0x49: {  	[bflag:$0x0] =	sbarrier.arrive $0xFFFF;
	(pc) =	sbr.rel @p0 .LBB2_1-.Ltmp1, $4  }
0x4a: {  	[hbm:s7], [sflag:s6] =	dma.local [spmem:s11], $0x2800  }
0x4b: {  	_ =	swait.ge [sflag:s12], $0x2800  }
0x4c: {  	[sflag:s12] =	ssyncset.done $0x0  }
0x4d: {  	[sflag:s12] =	ssyncadd.s32 $0xFFFFD800  }
0x4e: {  	_ =	sfence.sel $0x180000  }
0x4f: {  	[bflag:$0x0] =	sbarrier.arrive $0xFFFF  }
0x50: {  	p0 =	sne.s32 s0, $0x0;
	_ =	strace $0x9000004D  }
0x51: {  	s0 =	sadd.s32 @!p0 $0x100000, s1;
	[bflag:$0x2] =	sbarrier.arrive $0xFFFF  }
0x52: {  	[sflag:s0] =	ssyncadd.tile.s32 @!p0 $0x1;
	_ =	shalt  }
.Lfunc_end2:
_tile_overlayer_lowered:
.L_overlay_start_2:
0x53: {  	(tag) =	ssettag $0x2  }
0x54: {  	s0 =	rddreg [dreg:$0x0];
	s2 =	stileid.u32  }
0x55: {  	s1 =	rddreg [dreg:$0x1];
	p0 =	sne.s32 s2, $0x0  }
0x56: {  	s3 =	rddreg [dreg:$0x2];
	[bflag:$0x3] =	sbarrier.arrive $0xFFFF;
	s2 =	simm.s32 @!p0 $0x1C03  }
0x57: {  	[timem:s3], [sflag:s2] =	dma.local @!p0 [hbm:s0], s1  }
0x58: {  	s0 =	simm.s32 @!p0 $0x3  }
0x59: {  	_ =	swait.ge @!p0 [sflag:s0], s1  }
0x5a: {  	s1 =	ssub.s32 @!p0 $0x0, s1;
	[sflag:s0] =	ssyncset.done @!p0 $0x0  }
0x5b: {  	[sflag:s0] =	ssyncadd.s32 @!p0 s1  }
0x5c: {  	[bflag:$0x3] =	sbarrier.arrive $0xFFFF  }
0x5d: {  	_ =	shalt  }

// kernel: kernel.9.cloned.1.call-start
scs
__scs_entry_jumppad:
0x0: {  	(pc) =	sbr.rel $0x88, $3  }
0x1: {  	(tag) =	ssettag $0x0;
	lr =	simm.s32 $0x1  }
0x2: {  	[smem:$0x3F8F] =	sst lr;
	_ =	strace $0xD0000000  }
0x3: {  	_ = 	snop  }
0x4: {  	_ = 	snop  }
0x5: {  	_ = 	snop  }
0x6: {  	_ = 	snop  }
0x7: {  	_ = 	snop  }
__scs_overlays_trampoline_lowered:
0x8: {  	[smem:$0x3F9E] =	sst s0  }
0x9: {  	[smem:$0x3F9F] =	sst s1  }
0xa: {  	[smem:$0x3FA0] =	sst s2  }
0xb: {  	[smem:$0x3FA1] =	sst s3  }
0xc: {  	[smem:$0x3FA2] =	sst s4  }
0xd: {  	[smem:$0x3FA3] =	sst s5  }
0xe: {  	[smem:$0x3FA4] =	sst s6  }
0xf: {  	[smem:$0x3FA5] =	sst s7  }
0x10: {  	[smem:$0x3FA6] =	sst s8  }
0x11: {  	[smem:$0x3FA7] =	sst s9;
	s0 =	simm.s32 @!p0 $0x0  }
0x12: {  	s1 =	sld [smem:$0x3F8D];
	s0 =	simm.s32 @p0 $0x1  }
0x13: {  	[smem:$0x3FA8] =	sst s0;
	s0 =	simm.s32 @!p1 $0x0  }
0x14: {  	s2 =	sld [smem:$0x3F8C];
	s0 =	simm.s32 @p1 $0x1  }
0x15: {  	[smem:$0x3FA9] =	sst s0;
	s0 =	simm.s32 @!p2 $0x0  }
0x16: {  	s3 =	sld [smem:$0x3FDB];
	s0 =	simm.s32 @p2 $0x1  }
0x17: {  	s4 =	simm.s32 $0x1BF5;
	[smem:$0x3FAB] =	sst s0  }
0x18: {  	s0 =	sld [smem:$0x3F8E];
	_ =	swait.ge [sflag:s4], $0x0  }
0x19: {  	s7 =	sld [smem:$0x3F8F]  }
0x1a: {  	s8 =	sadd.s32 $0xFFFFE003, lr  }
0x1b: {  	s9 =	sadd.s32 $0xFFFFFEF7, lr;
	s5 =	simm.s32 $0xFFFFFFFF;
	p2 =	slt.u32 s8, $0xFFFFF086  }
0x1c: {  	p1 =	slt.u32 s9, $0xF7A;
	s5 =	simm.s32 @!p2 $0x0  }
0x1d: {  	s5 =	simm.s32 @p1 $0x1;
	p0 =	seq.s32 s7, s2  }
0x1e: {  	s7 =	smul.u32 @!p0 $0xF7A, s2;
	p2 =	seq.s32 @!p0 s5, $0x0  }
0x1f: {  	s9 =	smul.u32 $0xF7A, s1;
	s8 =	simm.s32 @!p0 $0x1BF5;
	p2 =	por !p2, p0  }
0x20: {  	[sflag:s8] =	ssyncset.s32 @!p0 $0xFFFFF086;
	s6 =	sadd.s32 @!p0 s3, s7;
	s7 =	simm.s32 @!p0 $0x108  }
0x21: {  	s3 =	sadd.s32 s3, s9;
	s6 =	sadd.s32 @!p0 $0x88, s6;
	s7 =	simm.s32 @p2 $0x1082  }
0x22: {  	[simem:s7], [sflag:s8] =	dma.local @!p0 [hbm:s6], $0xF7A  }
0x23: {  	s9 =	sor.u32 $0xD0000000, s2;
	s6 =	simm.s32 $0x108;
	_ =	swait.ge @!p0 [sflag:s8], $0x0  }
0x24: {  	s3 =	sadd.s32 $0x88, s3;
	s6 =	simm.s32 @!p1 $0x1082;
	[sflag:s4] =	ssyncset.s32 $0xFFFFF086  }
0x25: {  	[simem:s6], [sflag:s4] =	dma.local [hbm:s3], $0xF7A  }
0x26: {  	[smem:$0x3F8F] =	sst s1;
	(tag) =	ssettag s2;
	_ =	strace s9  }
0x27: {  	s1 =	sld [smem:$0x3F9F]  }
0x28: {  	s2 =	sld [smem:$0x3FA0]  }
0x29: {  	s4 =	sld [smem:$0x3FA2]  }
0x2a: {  	p0 =	seq.s32 s5, $0x0;
	s5 =	sld [smem:$0x3FA3]  }
0x2b: {  	s6 =	sld [smem:$0x3FA4]  }
0x2c: {  	s7 =	sld [smem:$0x3FA5]  }
0x2d: {  	s3 =	simm.s32 $0x108;
	s8 =	sld [smem:$0x3FA6]  }
0x2e: {  	s3 =	simm.s32 @!p0 $0x1082;
	s9 =	sld [smem:$0x3FA7]  }
0x2f: {  	lr =	sadd.s32 s0, s3;
	s0 =	sld [smem:$0x3F9E]  }
0x30: {  	s3 =	sld [smem:$0x3FA1]  }
0x31: {  	[smem:$0x3FAA] =	sst s10  }
0x32: {  	s10 =	sld [smem:$0x3FA8];
	_ =	sdelay $0x3  }
0x33: {  	p0 =	seq.s32 s10, $0x1;
	s10 =	sld [smem:$0x3FAA];
	_ =	sdelay $0x3  }
0x34: {  	[smem:$0x3FAA] =	sst s10  }
0x35: {  	s10 =	sld [smem:$0x3FA9];
	_ =	sdelay $0x3  }
0x36: {  	p1 =	seq.s32 s10, $0x1;
	s10 =	sld [smem:$0x3FAA];
	_ =	sdelay $0x3  }
0x37: {  	[smem:$0x3FAA] =	sst s10  }
0x38: {  	s10 =	sld [smem:$0x3FAB]  }
0x39: {  	_ = 	snop;
	(pc) =	sbr.ind lr, $3  }
0x3a: {  	_ = 	snop  }
0x3b: {  	_ = 	snop  }
0x3c: {  	p2 =	seq.s32 s10, $0x1;
	s10 =	sld [smem:$0x3FAA]  }
0x3d: {  	_ =	shalt  }
0x3e: {  	_ =	shalt  }
0x3f: {  	_ =	shalt  }
0x40: {  	_ =	shalt  }
0x41: {  	_ =	shalt  }
0x42: {  	_ =	shalt  }
0x43: {  	_ =	shalt  }
0x44: {  	_ =	shalt  }
0x45: {  	_ =	shalt  }
0x46: {  	_ =	shalt  }
0x47: {  	_ =	shalt  }
0x48: {  	_ =	shalt  }
0x49: {  	_ =	shalt  }
0x4a: {  	_ =	shalt  }
0x4b: {  	_ =	shalt  }
0x4c: {  	_ =	shalt  }
0x4d: {  	_ =	shalt  }
0x4e: {  	_ =	shalt  }
0x4f: {  	_ =	shalt  }
0x50: {  	_ =	shalt  }
0x51: {  	_ =	shalt  }
0x52: {  	_ =	shalt  }
0x53: {  	_ =	shalt  }
0x54: {  	_ =	shalt  }
0x55: {  	_ =	shalt  }
0x56: {  	_ =	shalt  }
0x57: {  	_ =	shalt  }
0x58: {  	_ =	shalt  }
0x59: {  	_ =	shalt  }
0x5a: {  	_ =	shalt  }
0x5b: {  	_ =	shalt  }
0x5c: {  	_ =	shalt  }
0x5d: {  	_ =	shalt  }
0x5e: {  	_ =	shalt  }
0x5f: {  	_ =	shalt  }
0x60: {  	_ =	shalt  }
0x61: {  	_ =	shalt  }
0x62: {  	_ =	shalt  }
0x63: {  	_ =	shalt  }
0x64: {  	_ =	shalt  }
0x65: {  	_ =	shalt  }
0x66: {  	_ =	shalt  }
0x67: {  	_ =	shalt  }
0x68: {  	_ =	shalt  }
0x69: {  	_ =	shalt  }
0x6a: {  	_ =	shalt  }
0x6b: {  	_ =	shalt  }
0x6c: {  	_ =	shalt  }
0x6d: {  	_ =	shalt  }
0x6e: {  	_ =	shalt  }
0x6f: {  	_ =	shalt  }
0x70: {  	_ =	shalt  }
0x71: {  	_ =	shalt  }
0x72: {  	_ =	shalt  }
0x73: {  	_ =	shalt  }
0x74: {  	_ =	shalt  }
0x75: {  	_ =	shalt  }
0x76: {  	_ =	shalt  }
0x77: {  	_ =	shalt  }
0x78: {  	_ =	shalt  }
0x79: {  	_ =	shalt  }
0x7a: {  	_ =	shalt  }
0x7b: {  	_ =	shalt  }
0x7c: {  	_ =	shalt  }
0x7d: {  	_ =	shalt  }
0x7e: {  	_ =	shalt  }
0x7f: {  	_ =	shalt  }
0x80: {  	_ =	shalt  }
0x81: {  	_ =	shalt  }
0x82: {  	_ =	shalt  }
0x83: {  	_ =	shalt  }
0x84: {  	_ =	shalt  }
0x85: {  	_ =	shalt  }
0x86: {  	_ =	shalt  }
0x87: {  	_ =	shalt  }
.Lfunc_end0:
.L_simem_size_0:
called_computation_lowered:
.L_overlay_start_0:
0x88: {  	s2 =	sld [smem:$0x3FD9]  }
0x89: {  	s3 =	sld [smem:$0x3FFE];
	_ =	sdelay $0x1  }
0x8a: {  	s1 =	srdreg.scid  }
0x8b: {  	s0 =	sand.u32 $0x1, s1  }
0x8c: {  	s17 =	sshll.u32 s0, $0xA;
	s2 =	sadd.s32 s3, s2  }
0x8d: {  	s2 =	sadd.s32 s2, s17  }
0x8e: {  	[smem:$0x3FB6] =	sst s2  }
0x8f: {  	_ = 	snop  }
0x90: {  	s2 =	sld [smem:$0x3FC9];
	(tm) =	ssettm $0x1  }
0x91: {  	s18 =	sld [smem:$0x3FFB];
	_ =	sdelay $0x3  }
0x92: {  	_ =	strace s18  }
0x93: {  	s3 =	sld [smem:$0x3FFC];
	_ =	sdelay $0x3  }
0x94: {  	_ =	strace s3  }
0x95: {  	s3 =	sld [smem:$0x3FFD];
	_ =	sdelay $0x3  }
0x96: {  	_ =	strace s3  }
0x97: {  	_ =	strace $0x8FFFFFFF  }
0x98: {  	s19 =	sld [smem:$0x3FDB];
	_ =	sdelay $0x1  }
0x99: {  	s4 =	simm.s32 $_scs_section_size  }
0x9a: {  	s5 =	simm.s32 $_size__tile_overlayer_lowered;
	s6 =	simm.s32 $_tile_overlayer_lowered  }
0x9b: {  	s22 =	simm.s32 $0x1BFF;
	s21 =	sshll.u32 s6, $0x1;
	s3 =	sadd.s32 s4, s19  }
0x9c: {  	s7 =	simm.s32 $0x0;
	s20 =	sshll.u32 s5, $0x1;
	s5 =	sadd.s32 s21, s3  }
0x9d: {  	[timem:s7], [sflag:s22] =	dma.local [hbm:s5], s20  }
0x9e: {  	_ =	swait.ge [sflag:s22], s20  }
0x9f: {  	s4 =	ssub.s32 $0x0, s20;
	[sflag:s22] =	ssyncset.done $0x0  }
0xa0: {  	[sflag:s22] =	ssyncadd.s32 s4;
	_ =	sdelay $0x1  }
0xa1: {  	s23 =	simm.s32 $0x1B8B  }
0xa2: {  	_ =	swait.ge [sflag:s23], $0x1  }
0xa3: {  	[sflag:s23] =	ssyncset.done $0x0  }
0xa4: {  	s25 =	simm.s32 $0x1B8E;
	s24 =	sld [smem:$0x3FFE];
	[sflag:s23] =	ssyncadd.s32 $0xFFFFFFFF  }
0xa5: {  	s26 =	simm.s32 $execute0_lowered;
	[smem:$0x3FD2] =	sst s25  }
0xa6: {  	s5 =	sshll.u32 s26, $0x1;
	_ =	strace $0x80000046;
	[dreg:$0x1] =	wrdreg $0xFFFFFFFF  }
0xa7: {  	s28 =	simm.s32 $_size_execute0_lowered;
	s3 =	sadd.s32 s3, s5;
	[dreg:$0x0] =	wrdreg $0x0  }
0xa8: {  	s5 =	sshll.u32 s28, $0x1;
	[dreg:$0x2] =	wrdreg s3  }
0xa9: {  	[dreg:$0x3] =	wrdreg s5  }
0xaa: {  	[dreg:$0x4] =	wrdreg $0xC0  }
0xab: {  	_ =	task [dreg:s7], $0x5FFFF  }
0xac: {  	[dreg:$0x1] =	wrdreg $0xFFFFFFFF  }
0xad: {  	[dreg:$0x0] =	wrdreg $0x60  }
0xae: {  	[dreg:$0x2] =	wrdreg s2  }
0xaf: {  	[dreg:$0x3] =	wrdreg s24  }
0xb0: {  	[dreg:$0x4] =	wrdreg $0x29000  }
0xb1: {  	[dreg:$0x5] =	wrdreg $0x9  }
0xb2: {  	_ =	task.clear_ibuf [dreg:s7], $0x6FFFF;
	_ =	strace $0x90000046  }
0xb3: {  	s29 =	simm.s32 $0x9;
	_ =	strace $0x80000048  }
0xb4: {  	_ =	swait.ge [sflag:s29], $0x1  }
0xb5: {  	[sflag:s29] =	ssyncadd.s32 $0xFFFFFFFF  }
0xb6: {  	_ =	strace $0x90000048  }
0xb7: {  	_ =	sfence  }
0xb8: {  	s30 =	sld [smem:$0x0];
	_ =	sdelay $0x2  }
0xb9: {  	s31 =	sshll.u32 s1, $0xD;
	s1 =	sshrl.u32 s1, $0x2  }
0xba: {  	s3 =	sand.u32 $0x4000, s31;
	s1 =	sadd.s32 s1, s30  }
0xbb: {  	s0 =	sor.u32 s3, s0;
	s1 =	sshll.u32 s1, $0x11  }
0xbc: {  	s0 =	sor.u32 s1, s0  }
0xbd: {  	s0 =	sadd.s32 $0x8F2B, s0  }
0xbe: {  	[sflag:s0] =	ssyncadd.remote.s32 $0x1  }
0xbf: {  	_ =	sfence.sel $0xFFFF  }
0xc0: {  	[dreg:$0x0] =	wrdreg $0xFFFFFFFF;
	(pc) =	sbr.abs _section_cstart, $3  }
0xc1: {  	[dreg:$0x1] =	wrdreg $0xFFFFFFFF  }
0xc2: {  	_ =	task.clear_ibuf [dreg:s7], $0x2FFFF;
	_ =	strace $0x9FFFFFFF  }
0xc3: {  	(tm) =	ssettm $0x7FFFFFFF  }
tec
execute0_lowered:
.L_overlay_start_1:
0x0: {  	(tag) =	ssettag $0x1  }
0x1: {  	s1 =	rddreg [dreg:$0x0]  }
0x2: {  	s5 =	rddreg [dreg:$0x1]  }
0x3: {  	s3 =	rddreg [dreg:$0x2]  }
0x4: {  	s0 =	srdreg.scid;
	s2 =	rddreg [dreg:$0x3]  }
0x5: {  	s4 =	simm.s32 $0x0;
	s13 =	simm.s32 $0x80;
	s6 =	sand.u32 $0x1, s0  }
0x6: {  	s14 =	simm.s32 $0x1;
	s0 =	stileid.u32;
	s7 =	smul.u32 $0x27100, s6  }
0x7: {  	s15 =	simm.s32 $0x50;
	s16 =	simm.s32 $0x100;
	s8 =	smul.u32 $0x2710, s0  }
0x8: {  	s17 =	simm.s32 $0x2;
	[smem:$0x7FF] =	sst s4;
	s25 =	smul.u32 $0x2800, s0  }
0x9: {  	s18 =	simm.s32 $0x0;
	s9 =	smul.u32 $0x28000, s6;
	_ =	strace $0x80000047  }
0xa: {  	s6 =	ssub.s32 $0x2, s6;
	s28 =	smul.u32 $0x50000, s0;
	s31 =	sshll.u32 s0, $0x6  }
0xb: {  	s29 =	sshrl.u32 s6, $0x1;
	s7 =	sadd.s32 s8, s7;
	s26 =	sadd.s32 s25, s9  }
0xc: {  	s8 =	sadd.s32 s25, s5;
	s11 =	ssub.s32 s6, s29;
	s30 =	sshrl.u32 s28, $0x2  }
0xd: {  	s6 =	sor.u32 $0x1C03, s31;
	s7 =	sshrl.u32 s7, $0x3;
	s12 =	sadd.s32 s30, s3  }
0xe: {  	s10 =	sadd.s32 s7, s5;
	s7 =	sadd.s32 s26, s5;
	s5 =	sadd.s32 $0x17600, s8  }
0xf: {  	s8 =	smax.u32 s11, $0x1;
	s11 =	sshrl.u32 s12, $0x3;
	s12 =	simm.s32 $0x3  }
0x10: {  	s7 =	sadd.s32 $0x3F600, s7;
	s9 =	sadd.s32 $0x3A00, s10;
	s10 =	sadd.s32 $0xD800, s10  }
.LBB2_1:
0x11: {  	[spmem:s11], [sflag:s6] =	dma.local [hbm:s5], $0x2800  }
0x12: {  	_ =	swait.ge [sflag:s12], $0x2800  }
0x13: {  	[sflag:s12] =	ssyncset.done $0x0  }
0x14: {  	[sflag:s12] =	ssyncadd.s32 $0xFFFFD800  }
0x15: {  	s19 =	sadd.s32 $0x0, s10;
	[bflag:$0x0] =	sbarrier.arrive $0xFFFF  }
0x16: {  	[tilespmem:s4], [sflag:$0x1] =	stream.linear.gather [hbm4b:s19+s4], $0x50, $0x38;
	[tilespmem:$0x16900] =	vst v63  }
0x17: {  	s31 =	sadd.s32 $0x0, s9  }
0x18: {  	[tilespmem:s13], [sflag:$0x1] =	stream.linear.gather [hbm4b:s31+s4], $0x50, $0x38;
	[tilespmem:$0x16900] =	vst v63  }
0x19: {  	_ =	swait.ge [sflag:s14], $0x50  }
0x1a: {  	[sflag:s14] =	ssyncset.done $0x0  }
0x1b: {  	[sflag:s14] =	ssyncadd.s32 $0xFFFFFFB0  }
0x1c: {  	_ =	swait.ge [sflag:s14], $0x50  }
0x1d: {  	[sflag:s14] =	ssyncset.done $0x0  }
0x1e: {  	[sflag:s14] =	ssyncadd.s32 $0xFFFFFFB0  }
0x1f: {  	[tilespmem:s16], [sflag:$0x2] =	stream.indirect.gather [hbm4b:s1+s15], $0x80, s4, s15, $0xb8;
	[tilespmem:$0x16900] =	vst v63  }
0x20: {  	_ =	swait.ge [sflag:s17], $0x2800  }
0x21: {  	[sflag:s17] =	ssyncset.done $0x0  }
0x22: {  	[sflag:s17] =	ssyncadd.s32 $0xFFFFD800  }
0x23: {  	[spmem:s3] =	stream.indirect.scatter.add.f32 [tilespmem:s16], [sflag:$0x3], $0x80, s13, s15, $0xb8;
	[tilespmem:$0x16900] =	vst v63  }
0x24: {  	_ =	swait.ge [sflag:s12], $0x2800  }
0x25: {  	s20 =	simm.s32 $0x14;
	s19 =	simm.s32 $0xA;
	[sflag:s12] =	ssyncset.done $0x0  }
.LBB2_2:
0x26: {  	s21 =	sadd.s32 s19, s10  }
0x27: {  	[sflag:s12] =	ssyncadd.s32 $0xFFFFD800;
	s22 =	smov.u32 s20;
	s23 =	sadd.s32 $0xA, s20  }
0x28: {  	[tilespmem:s4], [sflag:$0x1] =	stream.linear.gather [hbm4b:s21+s4], $0x50, $0x38;
	[tilespmem:$0x16900] =	vst v63  }
0x29: {  	p0 =	sne.s32 s20, $0x4D8;
	s20 =	sadd.s32 s19, s9;
	s19 =	smov.u32 s22  }
0x2a: {  	[tilespmem:s13], [sflag:$0x1] =	stream.linear.gather [hbm4b:s20+s4], $0x50, $0x38;
	[tilespmem:$0x16900] =	vst v63  }
0x2b: {  	_ =	swait.ge [sflag:s14], $0x50  }
0x2c: {  	[sflag:s14] =	ssyncset.done $0x0  }
0x2d: {  	[sflag:s14] =	ssyncadd.s32 $0xFFFFFFB0  }
0x2e: {  	_ =	swait.ge [sflag:s14], $0x50  }
0x2f: {  	[sflag:s14] =	ssyncset.done $0x0  }
0x30: {  	[sflag:s14] =	ssyncadd.s32 $0xFFFFFFB0  }
0x31: {  	[tilespmem:s16], [sflag:$0x2] =	stream.indirect.gather [hbm4b:s1+s15], $0x80, s4, s15, $0xb8;
	[tilespmem:$0x16900] =	vst v63  }
0x32: {  	_ =	swait.ge [sflag:s17], $0x2800  }
.Ltmp0:
0x33: {  	[sflag:s17] =	ssyncset.done $0x0;
	(pc) =	sbr.rel @p0 .LBB2_2-.Ltmp0, $4  }
0x34: {  	[sflag:s17] =	ssyncadd.s32 $0xFFFFD800  }
0x35: {  	[spmem:s3] =	stream.indirect.scatter.add.f32 [tilespmem:s16], [sflag:$0x3], $0x80, s13, s15, $0xb8;
	[tilespmem:$0x16900] =	vst v63  }
0x36: {  	_ =	swait.ge [sflag:s12], $0x2800  }
0x37: {  	s20 =	smov.u32 s23;
	[sflag:s12] =	ssyncset.done $0x0  }
0x38: {  	s20 =	sadd.s32 s19, s10;
	[sflag:s12] =	ssyncadd.s32 $0xFFFFD800  }
0x39: {  	[tilespmem:s4], [sflag:$0x1] =	stream.linear.gather [hbm4b:s20+s4], $0x50, $0x38;
	[tilespmem:$0x16900] =	vst v63  }
0x3a: {  	s31 =	sadd.s32 s19, s9  }
0x3b: {  	[tilespmem:s13], [sflag:$0x1] =	stream.linear.gather [hbm4b:s31+s4], $0x50, $0x38;
	[tilespmem:$0x16900] =	vst v63  }
0x3c: {  	_ =	swait.ge [sflag:s14], $0x50  }
0x3d: {  	[sflag:s14] =	ssyncset.done $0x0  }
0x3e: {  	[sflag:s14] =	ssyncadd.s32 $0xFFFFFFB0  }
0x3f: {  	_ =	swait.ge [sflag:s14], $0x50  }
0x40: {  	[sflag:s14] =	ssyncset.done $0x0  }
0x41: {  	[sflag:s14] =	ssyncadd.s32 $0xFFFFFFB0  }
0x42: {  	[tilespmem:s16], [sflag:$0x2] =	stream.indirect.gather [hbm4b:s1+s15], $0x80, s4, s15, $0xb8;
	[tilespmem:$0x16900] =	vst v63  }
0x43: {  	_ =	swait.ge [sflag:s17], $0x2800  }
0x44: {  	[sflag:s17] =	ssyncset.done $0x0  }
0x45: {  	[sflag:s17] =	ssyncadd.s32 $0xFFFFD800  }
0x46: {  	[spmem:s3] =	stream.indirect.scatter.add.f32 [tilespmem:s16], [sflag:$0x3], $0x80, s13, s15, $0xb8;
	[tilespmem:$0x16900] =	vst v63  }
0x47: {  	_ =	swait.ge [sflag:s12], $0x2800  }
0x48: {  	s18 =	sadd.s32 $0x1, s18;
	[sflag:s12] =	ssyncset.done $0x0  }
0x49: {  	p0 =	sne.s32 s18, s8;
	[sflag:s12] =	ssyncadd.s32 $0xFFFFD800  }
.Ltmp1:
0x4a: {  	[bflag:$0x0] =	sbarrier.arrive $0xFFFF;
	(pc) =	sbr.rel @p0 .LBB2_1-.Ltmp1, $4  }
0x4b: {  	[hbm:s7], [sflag:s6] =	dma.local [spmem:s11], $0x2800  }
0x4c: {  	_ =	swait.ge [sflag:s12], $0x2800  }
0x4d: {  	[sflag:s12] =	ssyncset.done $0x0  }
0x4e: {  	[sflag:s12] =	ssyncadd.s32 $0xFFFFD800  }
0x4f: {  	_ =	sfence.sel $0x180000  }
0x50: {  	[bflag:$0x0] =	sbarrier.arrive $0xFFFF  }
0x51: {  	p0 =	sne.s32 s0, $0x0;
	_ =	strace $0x90000047  }
0x52: {  	s0 =	sadd.s32 @!p0 $0x100000, s2;
	[bflag:$0x2] =	sbarrier.arrive $0xFFFF  }
0x53: {  	[sflag:s0] =	ssyncadd.tile.s32 @!p0 $0x1;
	_ =	shalt  }
.Lfunc_end2:
_tile_overlayer_lowered:
.L_overlay_start_2:
0x54: {  	(tag) =	ssettag $0x2  }
0x55: {  	s0 =	rddreg [dreg:$0x0];
	s2 =	stileid.u32  }
0x56: {  	s1 =	rddreg [dreg:$0x1];
	p0 =	sne.s32 s2, $0x0  }
0x57: {  	s3 =	rddreg [dreg:$0x2];
	[bflag:$0x3] =	sbarrier.arrive $0xFFFF;
	s2 =	simm.s32 @!p0 $0x1C03  }
0x58: {  	[timem:s3], [sflag:s2] =	dma.local @!p0 [hbm:s0], s1  }
0x59: {  	s0 =	simm.s32 @!p0 $0x3  }
0x5a: {  	_ =	swait.ge @!p0 [sflag:s0], s1  }
0x5b: {  	s1 =	ssub.s32 @!p0 $0x0, s1;
	[sflag:s0] =	ssyncset.done @!p0 $0x0  }
0x5c: {  	[sflag:s0] =	ssyncadd.s32 @!p0 s1  }
0x5d: {  	[bflag:$0x3] =	sbarrier.arrive $0xFFFF  }
0x5e: {  	_ =	shalt  }

</sc_bundles>
